<compile_context>
chip_gen: v7x
topology: tpu7x:2x2x1
jax: 0.10.2.dev20260603
libtpu: 0.0.44.dev20260713+nightly
codegen_flags: <defaults>
</compile_context>

<pallas_src>
import jax
import jax.numpy as jnp
from jax import lax
from jax.experimental import pallas as pl
from jax.experimental.pallas import tpu as pltpu, tpu_sc as plsc

N_NODES = 10000
D = 128

NC = 2
NS = 16
NW = NC * NS

CHUNK = 128
ROWS_PER_TILE = 640
NPAD = NS * ROWS_PER_TILE
E_PER_W = 10240
K_CHUNKS = E_PER_W // CHUNK
H_CHUNKS = K_CHUNKS // 2
EPAD = NW * E_PER_W
DEG_W = 128

_MESH = plsc.VectorSubcoreMesh(core_axis_name="c", subcore_axis_name="s")



def _deg_body(col2d, ones_hbm, zeros_hbm, degp, col_v, ones_v, acc,
              sem0, sem1):
    c = lax.axis_index("c")
    s = lax.axis_index("s")
    rbase = s * ROWS_PER_TILE
    pltpu.sync_copy(zeros_hbm.at[pl.ds(rbase, ROWS_PER_TILE)],
                    acc.at[pl.ds(rbase, ROWS_PER_TILE)])
    pltpu.sync_copy(ones_hbm, ones_v)
    cb = (c * NS + s) * K_CHUNKS
    pltpu.sync_copy(col2d.at[pl.ds(cb, K_CHUNKS)], col_v)
    plsc.subcore_barrier()

    def body(j, _):
        k0 = 2 * j
        d0 = pltpu.async_copy(ones_v, acc.at[col_v.at[k0]], sem0, add=True)
        d1 = pltpu.async_copy(ones_v, acc.at[col_v.at[k0 + 1]], sem1,
                              add=True)
        d0.wait()
        d1.wait()
        return 0

    lax.fori_loop(0, K_CHUNKS // 2, body, 0)
    plsc.subcore_barrier()
    pltpu.sync_copy(acc.at[pl.ds(rbase, ROWS_PER_TILE)],
                    degp.at[c, pl.ds(rbase, ROWS_PER_TILE)])


def _agg_body(hsrc, row2d, col2d, zeros_hbm, aggp, row_v, col_v, rows0,
              rows1, acc, sem0, sem1):
    c = lax.axis_index("c")
    s = lax.axis_index("s")
    rbase = s * ROWS_PER_TILE
    pltpu.sync_copy(zeros_hbm.at[pl.ds(rbase, ROWS_PER_TILE)],
                    acc.at[pl.ds(rbase, ROWS_PER_TILE)])
    cb = (c * NS + s) * K_CHUNKS
    plsc.subcore_barrier()

    for phase in range(K_CHUNKS // H_CHUNKS):
        pltpu.sync_copy(row2d.at[pl.ds(cb + phase * H_CHUNKS, H_CHUNKS)],
                        row_v)
        pltpu.sync_copy(col2d.at[pl.ds(cb + phase * H_CHUNKS, H_CHUNKS)],
                        col_v)
        pltpu.async_copy(hsrc.at[row_v.at[0]], rows0, sem0)

        def body(j, _):
            k0 = 2 * j
            pltpu.async_copy(hsrc.at[row_v.at[k0 + 1]], rows1, sem1)
            pltpu.make_async_copy(hsrc.at[row_v.at[k0]], rows0, sem0).wait()
            pltpu.sync_copy(rows0, acc.at[col_v.at[k0]], add=True)
            knext = jnp.minimum(k0 + 2, H_CHUNKS - 1)
            pltpu.async_copy(hsrc.at[row_v.at[knext]], rows0, sem0)
            pltpu.make_async_copy(
                hsrc.at[row_v.at[k0 + 1]], rows1, sem1).wait()
            pltpu.sync_copy(rows1, acc.at[col_v.at[k0 + 1]], add=True)
            return 0

        lax.fori_loop(0, H_CHUNKS // 2, body, 0)
        pltpu.make_async_copy(
            hsrc.at[row_v.at[H_CHUNKS - 1]], rows0, sem0).wait()
    plsc.subcore_barrier()
    pltpu.sync_copy(acc.at[pl.ds(rbase, ROWS_PER_TILE)],
                    aggp.at[c, pl.ds(rbase, ROWS_PER_TILE)])


def _make_deg_kernel():
    return pl.kernel(
        _deg_body,
        out_type=jax.ShapeDtypeStruct((NC, NPAD, DEG_W), jnp.float32),
        mesh=_MESH,
        scratch_types=[
            pltpu.VMEM((K_CHUNKS, CHUNK), jnp.int32),
            pltpu.VMEM((CHUNK, DEG_W), jnp.float32),
            pltpu.VMEM_SHARED((NPAD, DEG_W), jnp.float32),
            pltpu.SemaphoreType.DMA,
            pltpu.SemaphoreType.DMA,
        ],
    )


def _make_agg_kernel():
    return pl.kernel(
        _agg_body,
        out_type=jax.ShapeDtypeStruct((NC, NPAD, D), jnp.float32),
        mesh=_MESH,
        scratch_types=[
            pltpu.VMEM((H_CHUNKS, CHUNK), jnp.int32),
            pltpu.VMEM((H_CHUNKS, CHUNK), jnp.int32),
            pltpu.VMEM((CHUNK, D), jnp.float32),
            pltpu.VMEM((CHUNK, D), jnp.float32),
            pltpu.VMEM_SHARED((NPAD, D), jnp.float32),
            pltpu.SemaphoreType.DMA,
            pltpu.SemaphoreType.DMA,
        ],
    )


_deg_kernel = _make_deg_kernel()
_agg_kernel = _make_agg_kernel()



BLK = 1024
GRID = NPAD // BLK


def _dis_from(degp_ref):
    deg = degp_ref[0, :, 0] + degp_ref[1, :, 0] + 1.0
    return (1.0 / jnp.sqrt(deg))[:, None]


def _t1_body(x_ref, w_ref, degp_ref, o_ref):
    o_ref[...] = _dis_from(degp_ref) * jnp.dot(
        x_ref[...], w_ref[...], preferred_element_type=jnp.float32)


def _t2_body(aggp_ref, hp_ref, degp_ref, b_ref, w_ref, o_ref):
    dis = _dis_from(degp_ref)
    z = jnp.maximum(
        dis * (aggp_ref[0] + aggp_ref[1] + hp_ref[...]) + b_ref[...], 0.0)
    o_ref[...] = dis * jnp.dot(z, w_ref[...],
                               preferred_element_type=jnp.float32)


def _t3_body(aggp_ref, hp_ref, degp_ref, b_ref, o_ref):
    o_ref[...] = (_dis_from(degp_ref)
                  * (aggp_ref[0] + aggp_ref[1] + hp_ref[...]) + b_ref[...])


_ROWBLK = pl.BlockSpec((BLK, D), lambda i: (i, 0))
_WSPEC = pl.BlockSpec((D, D), lambda i: (0, 0))
_DEGSPEC = pl.BlockSpec((NC, BLK, DEG_W), lambda i: (0, i, 0))
_AGGSPEC = pl.BlockSpec((NC, BLK, D), lambda i: (0, i, 0))
_BSPEC = pl.BlockSpec((1, D), lambda i: (0, 0))
_OUT = jax.ShapeDtypeStruct((NPAD, D), jnp.float32)

_t1 = pl.pallas_call(
    _t1_body, grid=(GRID,),
    in_specs=[_ROWBLK, _WSPEC, _DEGSPEC],
    out_specs=_ROWBLK, out_shape=_OUT)

_t2 = pl.pallas_call(
    _t2_body, grid=(GRID,),
    in_specs=[_AGGSPEC, _ROWBLK, _DEGSPEC, _BSPEC, _WSPEC],
    out_specs=_ROWBLK, out_shape=_OUT)

_t3 = pl.pallas_call(
    _t3_body, grid=(GRID,),
    in_specs=[_AGGSPEC, _ROWBLK, _DEGSPEC, _BSPEC],
    out_specs=_ROWBLK, out_shape=_OUT)



@jax.jit
def kernel(x, edge_index, W1, b1, W2, b2):
    row = edge_index[0].astype(jnp.int32)
    col = edge_index[1].astype(jnp.int32)
    n_edges = row.shape[0]
    row2d = jnp.pad(row, (0, EPAD - n_edges)).reshape(EPAD // CHUNK, CHUNK)
    col2d = jnp.pad(col, (0, EPAD - n_edges),
                    constant_values=N_NODES).reshape(EPAD // CHUNK, CHUNK)
    xp = jnp.pad(x, ((0, NPAD - x.shape[0]), (0, 0)))

    ones_rows = jnp.ones((CHUNK, DEG_W), jnp.float32)
    zeros_agg = jnp.zeros((NPAD, D), jnp.float32)

    degp = _deg_kernel(col2d, ones_rows, zeros_agg)
    h1p = _t1(xp, W1, degp)
    agg1 = _agg_kernel(h1p, row2d, col2d, zeros_agg)
    h2p = _t2(agg1, h1p, degp, b1.reshape(1, D), W2)
    agg2 = _agg_kernel(h2p, row2d, col2d, zeros_agg)
    out = _t3(agg2, h2p, degp, b2.reshape(1, D))
    return out[:N_NODES]

# --- scband reference (transcript-rebuilt; emitter-appended) ---
"""Pipeline reference for scband-gcnencoder-54571854463791 (READ-ONLY COPY).

The authoritative reference and input builder live on the scoring server;
editing this copy changes nothing except your own understanding.
"""

import jax, jax.numpy as jnp
import numpy as np

N_NODES = 10000
N_EDGES = 320000
D_IN = 128
D_HID = 128


def setup_inputs(seed: int = 0) -> dict:
    key = jax.random.key(seed)
    k1, k2, k3, k4 = jax.random.split(key, 4)
    x = jax.random.normal(k1, (N_NODES, D_IN), dtype=jnp.float32)
    edge_index = jax.random.randint(k2, (2, N_EDGES), 0, N_NODES, dtype=jnp.int64)
    # GCNConv layer weights (glorot-ish scale) and biases
    W1 = jax.random.normal(k3, (D_IN, D_HID), dtype=jnp.float32) * (1.0 / np.sqrt(D_IN))
    b1 = jnp.zeros((D_HID,), dtype=jnp.float32)
    W2 = jax.random.normal(k4, (D_HID, D_HID), dtype=jnp.float32) * (1.0 / np.sqrt(D_HID))
    b2 = jnp.zeros((D_HID,), dtype=jnp.float32)
    return {"x": x, "edge_index": edge_index, "W1": W1, "b1": b1, "W2": W2, "b2": b2}


def _gcn_conv(x, edge_index, W, b, num_nodes):
    # torch_geometric GCNConv semantics: add self-loops, symmetric normalization,
    # linear transform, scatter-add aggregation from src (row) to dst (col), + bias.
    row = edge_index[0]
    col = edge_index[1]
    loop = jnp.arange(num_nodes, dtype=row.dtype)
    row = jnp.concatenate([row, loop])
    col = jnp.concatenate([col, loop])
    deg = jax.ops.segment_sum(jnp.ones_like(col, dtype=x.dtype), col, num_segments=num_nodes)
    deg_inv_sqrt = jnp.where(deg > 0, 1.0 / jnp.sqrt(deg), 0.0)
    norm = deg_inv_sqrt[row] * deg_inv_sqrt[col]
    h = x @ W
    msg = jnp.take(h, row, axis=0) * norm[:, None]
    out = jax.ops.segment_sum(msg, col, num_segments=num_nodes)
    return out + b


def reference(x, edge_index, W1, b1, W2, b2):
    # GCNEncoder forward: conv1 -> relu -> (dropout p=0, eval) -> conv2
    h = _gcn_conv(x, edge_index, W1, b1, N_NODES)
    h = jax.nn.relu(h)
    out = _gcn_conv(h, edge_index, W2, b2, N_NODES)
    return out

if __name__ == "__main__":
    import jax
    _d = setup_inputs()
    print(jax.jit(kernel)(*tuple(_d.values())))

</pallas_src>

<mosaic_0001>
#map = affine_map<(d0, d1) -> (0, 0)>
#map1 = affine_map<(d0, d1) -> (0, 0, 0)>
module attributes {stable_mosaic.version = 14 : i64} {
  func.func @_deg_body(%arg0: i32, %arg1: i32, %arg2: memref<2560x128xi32, #tpu.memory_space<hbm>>, %arg3: memref<128x128xf32, #tpu.memory_space<hbm>>, %arg4: memref<10240x128xf32, #tpu.memory_space<hbm>>, %arg5: memref<2x10240x128xf32, #tpu.memory_space<hbm>>, %arg6: memref<80x128xi32, #tpu.memory_space<vmem>>, %arg7: memref<128x128xf32, #tpu.memory_space<vmem>>, %arg8: memref<10240x128xf32, #tpu.memory_space<vmem_shared>>, %arg9: memref<!tpu.dma_semaphore, #tpu.memory_space<semaphore_mem>>, %arg10: memref<!tpu.dma_semaphore, #tpu.memory_space<semaphore_mem>>) attributes {dimension_semantics = [#tpu.dimension_semantics<core_parallel>, #tpu.dimension_semantics<subcore_parallel>], iteration_bounds = array<i64: 2, 16>, scalar_prefetch = 0 : i64, scratch_operands = 5 : i64, tpu.core_type = #tpu.core_type<sc_vector_subcore>, window_params = [{transform_indices = #map}, {transform_indices = #map}, {transform_indices = #map}, {transform_indices = #map1}]} {
    %mul3A = arith.constant 640 : i32
    %mul3A_0 = arith.muli %arg1, %mul3A : i32
    "tpu.region"() ({
      %run_scoped3A = tpu.sem_alloc : memref<!tpu.dma_semaphore, #tpu.memory_space<semaphore_mem>>
      %dma_start3A = arith.constant 0 : i32
      %dma_start3A_12 = tpu.memref_slice %arg8[%mul3A_0, %dma_start3A] : memref<10240x128xf32, #tpu.memory_space<vmem_shared>> -> memref<640x128xf32, #tpu.memory_space<vmem_shared>>
      %dma_start3A_13 = arith.constant 0 : i32
      %dma_start3A_14 = tpu.memref_slice %arg4[%mul3A_0, %dma_start3A_13] : memref<10240x128xf32, #tpu.memory_space<hbm>> -> memref<640x128xf32, #tpu.memory_space<hbm>>
      tpu.enqueue_dma source(%dma_start3A_14 : memref<640x128xf32, #tpu.memory_space<hbm>>) target(%dma_start3A_12 : memref<640x128xf32, #tpu.memory_space<vmem_shared>>) target_semaphore(%run_scoped3A : memref<!tpu.dma_semaphore, #tpu.memory_space<semaphore_mem>>)
      %dma_wait3A = arith.constant 0 : i32
      %dma_wait3A_15 = tpu.memref_slice %arg8[%mul3A_0, %dma_wait3A] : memref<10240x128xf32, #tpu.memory_space<vmem_shared>> -> memref<640x128xf32, #tpu.memory_space<vmem_shared>>
      %dma_wait3A_16 = arith.constant 0 : i32
      %dma_wait3A_17 = tpu.memref_slice %arg4[%mul3A_0, %dma_wait3A_16] : memref<10240x128xf32, #tpu.memory_space<hbm>> -> memref<640x128xf32, #tpu.memory_space<hbm>>
      tpu.wait_dma2 semaphore(%run_scoped3A : memref<!tpu.dma_semaphore, #tpu.memory_space<semaphore_mem>>) src(%dma_wait3A_17 : memref<640x128xf32, #tpu.memory_space<hbm>>) dst(%dma_wait3A_15 : memref<640x128xf32, #tpu.memory_space<vmem_shared>>)
      tpu.yield
    }) : () -> ()
    "tpu.region"() ({
      %run_scoped3A = tpu.sem_alloc : memref<!tpu.dma_semaphore, #tpu.memory_space<semaphore_mem>>
      tpu.enqueue_dma source(%arg3 : memref<128x128xf32, #tpu.memory_space<hbm>>) target(%arg7 : memref<128x128xf32, #tpu.memory_space<vmem>>) target_semaphore(%run_scoped3A : memref<!tpu.dma_semaphore, #tpu.memory_space<semaphore_mem>>)
      tpu.wait_dma2 semaphore(%run_scoped3A : memref<!tpu.dma_semaphore, #tpu.memory_space<semaphore_mem>>) src(%arg3 : memref<128x128xf32, #tpu.memory_space<hbm>>) dst(%arg7 : memref<128x128xf32, #tpu.memory_space<vmem>>)
      tpu.yield
    }) : () -> ()
    %mul3A_1 = arith.constant 16 : i32
    %mul3A_2 = arith.muli %arg0, %mul3A_1 : i32
    %add3A = arith.addi %mul3A_2, %arg1 : i32
    %mul3A_3 = arith.constant 80 : i32
    %mul3A_4 = arith.muli %add3A, %mul3A_3 : i32
    "tpu.region"() ({
      %run_scoped3A = tpu.sem_alloc : memref<!tpu.dma_semaphore, #tpu.memory_space<semaphore_mem>>
      %dma_start3A = arith.constant 0 : i32
      %dma_start3A_12 = tpu.memref_slice %arg2[%mul3A_4, %dma_start3A] : memref<2560x128xi32, #tpu.memory_space<hbm>> -> memref<80x128xi32, #tpu.memory_space<hbm>>
      %dma_start3A_13 = arith.constant 0 : i32
      %dma_start3A_14 = tpu.memref_slice %arg2[%mul3A_4, %dma_start3A_13] : memref<2560x128xi32, #tpu.memory_space<hbm>> -> memref<80x128xi32, #tpu.memory_space<hbm>>
      tpu.enqueue_dma source(%dma_start3A_14 : memref<80x128xi32, #tpu.memory_space<hbm>>) target(%arg6 : memref<80x128xi32, #tpu.memory_space<vmem>>) target_semaphore(%run_scoped3A : memref<!tpu.dma_semaphore, #tpu.memory_space<semaphore_mem>>)
      %dma_wait3A = arith.constant 0 : i32
      %dma_wait3A_15 = tpu.memref_slice %arg2[%mul3A_4, %dma_wait3A] : memref<2560x128xi32, #tpu.memory_space<hbm>> -> memref<80x128xi32, #tpu.memory_space<hbm>>
      %dma_wait3A_16 = arith.constant 0 : i32
      %dma_wait3A_17 = tpu.memref_slice %arg2[%mul3A_4, %dma_wait3A_16] : memref<2560x128xi32, #tpu.memory_space<hbm>> -> memref<80x128xi32, #tpu.memory_space<hbm>>
      tpu.wait_dma2 semaphore(%run_scoped3A : memref<!tpu.dma_semaphore, #tpu.memory_space<semaphore_mem>>) src(%dma_wait3A_17 : memref<80x128xi32, #tpu.memory_space<hbm>>) dst(%arg6 : memref<80x128xi32, #tpu.memory_space<vmem>>)
      tpu.yield
    }) : () -> ()
    %barrier3A = arith.constant 0 : index
    tpu.barrier barrier_id(%barrier3A)
    %scan3A = arith.constant 0 : i32
    %scan3A_5 = arith.constant 0 : i32
    %scan3A_6 = arith.constant 40 : i32
    %scan3A_7 = arith.addi %scan3A_5, %scan3A_6 : i32
    %scan3A_8 = arith.constant 1 : i32
    %scan3A_9 = scf.for %scan3A_12 = %scan3A_5 to %scan3A_7 step %scan3A_8 iter_args(%scan3A_13 = %scan3A) -> (i32)  : i32 {
      %mul3A_14 = arith.constant 2 : i32
      %mul3A_15 = arith.muli %mul3A_14, %scan3A_12 : i32
      %dma_start3A = arith.constant 0 : i32
      %dma_start3A_16 = tpu.memref_slice %arg6[%mul3A_15, %dma_start3A] : memref<80x128xi32, #tpu.memory_space<vmem>> -> memref<1x128xi32, #tpu.memory_space<vmem>>
      %dma_start3A_17 = tpu.memref_squeeze %dma_start3A_16 : memref<1x128xi32, #tpu.memory_space<vmem>> -> memref<128xi32, #tpu.memory_space<vmem>>
      %dma_start3A_18 = arith.constant 0 : i32
      %dma_start3A_19 = arith.constant 0 : i32
      %dma_start3A_20 = tpu.memref_slice %arg8[%dma_start3A_18, %dma_start3A_19] : memref<10240x128xf32, #tpu.memory_space<vmem_shared>> -> memref<10240x128xf32, #tpu.memory_space<vmem_shared>>
      tpu.enqueue_indirect_dma source(%arg7 : memref<128x128xf32, #tpu.memory_space<vmem>>) target(%dma_start3A_20 : memref<10240x128xf32, #tpu.memory_space<vmem_shared>>) offsets(%dma_start3A_17 : memref<128xi32, #tpu.memory_space<vmem>>) semaphore(%arg9 : memref<!tpu.dma_semaphore, #tpu.memory_space<semaphore_mem>>) {add = true}
      %add3A_21 = arith.constant 1 : i32
      %add3A_22 = arith.addi %mul3A_15, %add3A_21 : i32
      %dma_start3A_23 = arith.constant 0 : i32
      %dma_start3A_24 = tpu.memref_slice %arg6[%add3A_22, %dma_start3A_23] : memref<80x128xi32, #tpu.memory_space<vmem>> -> memref<1x128xi32, #tpu.memory_space<vmem>>
      %dma_start3A_25 = tpu.memref_squeeze %dma_start3A_24 : memref<1x128xi32, #tpu.memory_space<vmem>> -> memref<128xi32, #tpu.memory_space<vmem>>
      %dma_start3A_26 = arith.constant 0 : i32
      %dma_start3A_27 = arith.constant 0 : i32
      %dma_start3A_28 = tpu.memref_slice %arg8[%dma_start3A_26, %dma_start3A_27] : memref<10240x128xf32, #tpu.memory_space<vmem_shared>> -> memref<10240x128xf32, #tpu.memory_space<vmem_shared>>
      tpu.enqueue_indirect_dma source(%arg7 : memref<128x128xf32, #tpu.memory_space<vmem>>) target(%dma_start3A_28 : memref<10240x128xf32, #tpu.memory_space<vmem_shared>>) offsets(%dma_start3A_25 : memref<128xi32, #tpu.memory_space<vmem>>) semaphore(%arg10 : memref<!tpu.dma_semaphore, #tpu.memory_space<semaphore_mem>>) {add = true}
      %dma_wait3A = arith.constant 0 : i32
      %dma_wait3A_29 = tpu.memref_slice %arg6[%mul3A_15, %dma_wait3A] : memref<80x128xi32, #tpu.memory_space<vmem>> -> memref<1x128xi32, #tpu.memory_space<vmem>>
      %dma_wait3A_30 = tpu.memref_squeeze %dma_wait3A_29 : memref<1x128xi32, #tpu.memory_space<vmem>> -> memref<128xi32, #tpu.memory_space<vmem>>
      %dma_wait3A_31 = arith.constant 0 : i32
      %dma_wait3A_32 = arith.constant 0 : i32
      %dma_wait3A_33 = tpu.memref_slice %arg8[%dma_wait3A_31, %dma_wait3A_32] : memref<10240x128xf32, #tpu.memory_space<vmem_shared>> -> memref<10240x128xf32, #tpu.memory_space<vmem_shared>>
      tpu.wait_indirect_dma semaphore(%arg9 : memref<!tpu.dma_semaphore, #tpu.memory_space<semaphore_mem>>) src(%arg7 : memref<128x128xf32, #tpu.memory_space<vmem>>) dst(%dma_wait3A_33 : memref<10240x128xf32, #tpu.memory_space<vmem_shared>>)
      %dma_wait3A_34 = arith.constant 0 : i32
      %dma_wait3A_35 = tpu.memref_slice %arg6[%add3A_22, %dma_wait3A_34] : memref<80x128xi32, #tpu.memory_space<vmem>> -> memref<1x128xi32, #tpu.memory_space<vmem>>
      %dma_wait3A_36 = tpu.memref_squeeze %dma_wait3A_35 : memref<1x128xi32, #tpu.memory_space<vmem>> -> memref<128xi32, #tpu.memory_space<vmem>>
      %dma_wait3A_37 = arith.constant 0 : i32
      %dma_wait3A_38 = arith.constant 0 : i32
      %dma_wait3A_39 = tpu.memref_slice %arg8[%dma_wait3A_37, %dma_wait3A_38] : memref<10240x128xf32, #tpu.memory_space<vmem_shared>> -> memref<10240x128xf32, #tpu.memory_space<vmem_shared>>
      tpu.wait_indirect_dma semaphore(%arg10 : memref<!tpu.dma_semaphore, #tpu.memory_space<semaphore_mem>>) src(%arg7 : memref<128x128xf32, #tpu.memory_space<vmem>>) dst(%dma_wait3A_39 : memref<10240x128xf32, #tpu.memory_space<vmem_shared>>)
      %scan3A_40 = arith.constant 0 : i32
      scf.yield %scan3A_40 : i32
    }
    %scan3A_10 = arith.constant 40 : i32
    %barrier3A_11 = arith.constant 0 : index
    tpu.barrier barrier_id(%barrier3A_11)
    "tpu.region"() ({
      %run_scoped3A = tpu.sem_alloc : memref<!tpu.dma_semaphore, #tpu.memory_space<semaphore_mem>>
      %dma_start3A = arith.constant 0 : i32
      %dma_start3A_12 = tpu.memref_slice %arg5[%arg0, %mul3A_0, %dma_start3A] : memref<2x10240x128xf32, #tpu.memory_space<hbm>> -> memref<1x640x128xf32, #tpu.memory_space<hbm>>
      %dma_start3A_13 = tpu.memref_squeeze %dma_start3A_12 : memref<1x640x128xf32, #tpu.memory_space<hbm>> -> memref<640x128xf32, #tpu.memory_space<hbm>>
      %dma_start3A_14 = arith.constant 0 : i32
      %dma_start3A_15 = tpu.memref_slice %arg8[%mul3A_0, %dma_start3A_14] : memref<10240x128xf32, #tpu.memory_space<vmem_shared>> -> memref<640x128xf32, #tpu.memory_space<vmem_shared>>
      tpu.enqueue_dma source(%dma_start3A_15 : memref<640x128xf32, #tpu.memory_space<vmem_shared>>) target(%dma_start3A_13 : memref<640x128xf32, #tpu.memory_space<hbm>>) target_semaphore(%run_scoped3A : memref<!tpu.dma_semaphore, #tpu.memory_space<semaphore_mem>>)
      %dma_wait3A = arith.constant 0 : i32
      %dma_wait3A_16 = tpu.memref_slice %arg5[%arg0, %mul3A_0, %dma_wait3A] : memref<2x10240x128xf32, #tpu.memory_space<hbm>> -> memref<1x640x128xf32, #tpu.memory_space<hbm>>
      %dma_wait3A_17 = tpu.memref_squeeze %dma_wait3A_16 : memref<1x640x128xf32, #tpu.memory_space<hbm>> -> memref<640x128xf32, #tpu.memory_space<hbm>>
      %dma_wait3A_18 = arith.constant 0 : i32
      %dma_wait3A_19 = tpu.memref_slice %arg8[%mul3A_0, %dma_wait3A_18] : memref<10240x128xf32, #tpu.memory_space<vmem_shared>> -> memref<640x128xf32, #tpu.memory_space<vmem_shared>>
      tpu.wait_dma2 semaphore(%run_scoped3A : memref<!tpu.dma_semaphore, #tpu.memory_space<semaphore_mem>>) src(%dma_wait3A_19 : memref<640x128xf32, #tpu.memory_space<vmem_shared>>) dst(%dma_wait3A_17 : memref<640x128xf32, #tpu.memory_space<hbm>>)
      tpu.yield
    }) : () -> ()
    return
  }
}

#map = affine_map<(d0, d1) -> (0, 0)>
#map1 = affine_map<(d0, d1) -> (0, 0, 0)>
module attributes {stable_mosaic.version = 14 : i64} {
  func.func @_agg_body(%arg0: i32, %arg1: i32, %arg2: memref<10240x128xf32, #tpu.memory_space<hbm>>, %arg3: memref<2560x128xi32, #tpu.memory_space<hbm>>, %arg4: memref<2560x128xi32, #tpu.memory_space<hbm>>, %arg5: memref<10240x128xf32, #tpu.memory_space<hbm>>, %arg6: memref<2x10240x128xf32, #tpu.memory_space<hbm>>, %arg7: memref<40x128xi32, #tpu.memory_space<vmem>>, %arg8: memref<40x128xi32, #tpu.memory_space<vmem>>, %arg9: memref<128x128xf32, #tpu.memory_space<vmem>>, %arg10: memref<128x128xf32, #tpu.memory_space<vmem>>, %arg11: memref<10240x128xf32, #tpu.memory_space<vmem_shared>>, %arg12: memref<!tpu.dma_semaphore, #tpu.memory_space<semaphore_mem>>, %arg13: memref<!tpu.dma_semaphore, #tpu.memory_space<semaphore_mem>>) attributes {dimension_semantics = [#tpu.dimension_semantics<core_parallel>, #tpu.dimension_semantics<subcore_parallel>], iteration_bounds = array<i64: 2, 16>, scalar_prefetch = 0 : i64, scratch_operands = 7 : i64, tpu.core_type = #tpu.core_type<sc_vector_subcore>, window_params = [{transform_indices = #map}, {transform_indices = #map}, {transform_indices = #map}, {transform_indices = #map}, {transform_indices = #map1}]} {
    %mul3A = arith.constant 640 : i32
    %mul3A_0 = arith.muli %arg1, %mul3A : i32
    "tpu.region"() ({
      %run_scoped3A = tpu.sem_alloc : memref<!tpu.dma_semaphore, #tpu.memory_space<semaphore_mem>>
      %dma_start3A_53 = arith.constant 0 : i32
      %dma_start3A_54 = tpu.memref_slice %arg11[%mul3A_0, %dma_start3A_53] : memref<10240x128xf32, #tpu.memory_space<vmem_shared>> -> memref<640x128xf32, #tpu.memory_space<vmem_shared>>
      %dma_start3A_55 = arith.constant 0 : i32
      %dma_start3A_56 = tpu.memref_slice %arg5[%mul3A_0, %dma_start3A_55] : memref<10240x128xf32, #tpu.memory_space<hbm>> -> memref<640x128xf32, #tpu.memory_space<hbm>>
      tpu.enqueue_dma source(%dma_start3A_56 : memref<640x128xf32, #tpu.memory_space<hbm>>) target(%dma_start3A_54 : memref<640x128xf32, #tpu.memory_space<vmem_shared>>) target_semaphore(%run_scoped3A : memref<!tpu.dma_semaphore, #tpu.memory_space<semaphore_mem>>)
      %dma_wait3A_57 = arith.constant 0 : i32
      %dma_wait3A_58 = tpu.memref_slice %arg11[%mul3A_0, %dma_wait3A_57] : memref<10240x128xf32, #tpu.memory_space<vmem_shared>> -> memref<640x128xf32, #tpu.memory_space<vmem_shared>>
      %dma_wait3A_59 = arith.constant 0 : i32
      %dma_wait3A_60 = tpu.memref_slice %arg5[%mul3A_0, %dma_wait3A_59] : memref<10240x128xf32, #tpu.memory_space<hbm>> -> memref<640x128xf32, #tpu.memory_space<hbm>>
      tpu.wait_dma2 semaphore(%run_scoped3A : memref<!tpu.dma_semaphore, #tpu.memory_space<semaphore_mem>>) src(%dma_wait3A_60 : memref<640x128xf32, #tpu.memory_space<hbm>>) dst(%dma_wait3A_58 : memref<640x128xf32, #tpu.memory_space<vmem_shared>>)
      tpu.yield
    }) : () -> ()
    %mul3A_1 = arith.constant 16 : i32
    %mul3A_2 = arith.muli %arg0, %mul3A_1 : i32
    %add3A = arith.addi %mul3A_2, %arg1 : i32
    %mul3A_3 = arith.constant 80 : i32
    %mul3A_4 = arith.muli %add3A, %mul3A_3 : i32
    %barrier3A = arith.constant 0 : index
    tpu.barrier barrier_id(%barrier3A)
    %add3A_5 = arith.constant 0 : i32
    %add3A_6 = arith.addi %mul3A_4, %add3A_5 : i32
    "tpu.region"() ({
      %run_scoped3A = tpu.sem_alloc : memref<!tpu.dma_semaphore, #tpu.memory_space<semaphore_mem>>
      %dma_start3A_53 = arith.constant 0 : i32
      %dma_start3A_54 = tpu.memref_slice %arg3[%add3A_6, %dma_start3A_53] : memref<2560x128xi32, #tpu.memory_space<hbm>> -> memref<40x128xi32, #tpu.memory_space<hbm>>
      %dma_start3A_55 = arith.constant 0 : i32
      %dma_start3A_56 = tpu.memref_slice %arg3[%add3A_6, %dma_start3A_55] : memref<2560x128xi32, #tpu.memory_space<hbm>> -> memref<40x128xi32, #tpu.memory_space<hbm>>
      tpu.enqueue_dma source(%dma_start3A_56 : memref<40x128xi32, #tpu.memory_space<hbm>>) target(%arg7 : memref<40x128xi32, #tpu.memory_space<vmem>>) target_semaphore(%run_scoped3A : memref<!tpu.dma_semaphore, #tpu.memory_space<semaphore_mem>>)
      %dma_wait3A_57 = arith.constant 0 : i32
      %dma_wait3A_58 = tpu.memref_slice %arg3[%add3A_6, %dma_wait3A_57] : memref<2560x128xi32, #tpu.memory_space<hbm>> -> memref<40x128xi32, #tpu.memory_space<hbm>>
      %dma_wait3A_59 = arith.constant 0 : i32
      %dma_wait3A_60 = tpu.memref_slice %arg3[%add3A_6, %dma_wait3A_59] : memref<2560x128xi32, #tpu.memory_space<hbm>> -> memref<40x128xi32, #tpu.memory_space<hbm>>
      tpu.wait_dma2 semaphore(%run_scoped3A : memref<!tpu.dma_semaphore, #tpu.memory_space<semaphore_mem>>) src(%dma_wait3A_60 : memref<40x128xi32, #tpu.memory_space<hbm>>) dst(%arg7 : memref<40x128xi32, #tpu.memory_space<vmem>>)
      tpu.yield
    }) : () -> ()
    %add3A_7 = arith.constant 0 : i32
    %add3A_8 = arith.addi %mul3A_4, %add3A_7 : i32
    "tpu.region"() ({
      %run_scoped3A = tpu.sem_alloc : memref<!tpu.dma_semaphore, #tpu.memory_space<semaphore_mem>>
      %dma_start3A_53 = arith.constant 0 : i32
      %dma_start3A_54 = tpu.memref_slice %arg4[%add3A_8, %dma_start3A_53] : memref<2560x128xi32, #tpu.memory_space<hbm>> -> memref<40x128xi32, #tpu.memory_space<hbm>>
      %dma_start3A_55 = arith.constant 0 : i32
      %dma_start3A_56 = tpu.memref_slice %arg4[%add3A_8, %dma_start3A_55] : memref<2560x128xi32, #tpu.memory_space<hbm>> -> memref<40x128xi32, #tpu.memory_space<hbm>>
      tpu.enqueue_dma source(%dma_start3A_56 : memref<40x128xi32, #tpu.memory_space<hbm>>) target(%arg8 : memref<40x128xi32, #tpu.memory_space<vmem>>) target_semaphore(%run_scoped3A : memref<!tpu.dma_semaphore, #tpu.memory_space<semaphore_mem>>)
      %dma_wait3A_57 = arith.constant 0 : i32
      %dma_wait3A_58 = tpu.memref_slice %arg4[%add3A_8, %dma_wait3A_57] : memref<2560x128xi32, #tpu.memory_space<hbm>> -> memref<40x128xi32, #tpu.memory_space<hbm>>
      %dma_wait3A_59 = arith.constant 0 : i32
      %dma_wait3A_60 = tpu.memref_slice %arg4[%add3A_8, %dma_wait3A_59] : memref<2560x128xi32, #tpu.memory_space<hbm>> -> memref<40x128xi32, #tpu.memory_space<hbm>>
      tpu.wait_dma2 semaphore(%run_scoped3A : memref<!tpu.dma_semaphore, #tpu.memory_space<semaphore_mem>>) src(%dma_wait3A_60 : memref<40x128xi32, #tpu.memory_space<hbm>>) dst(%arg8 : memref<40x128xi32, #tpu.memory_space<vmem>>)
      tpu.yield
    }) : () -> ()
    %dma_start3A = arith.constant 0 : i32
    %dma_start3A_9 = arith.constant 0 : i32
    %dma_start3A_10 = tpu.memref_slice %arg7[%dma_start3A, %dma_start3A_9] : memref<40x128xi32, #tpu.memory_space<vmem>> -> memref<1x128xi32, #tpu.memory_space<vmem>>
    %dma_start3A_11 = tpu.memref_squeeze %dma_start3A_10 : memref<1x128xi32, #tpu.memory_space<vmem>> -> memref<128xi32, #tpu.memory_space<vmem>>
    %dma_start3A_12 = arith.constant 0 : i32
    %dma_start3A_13 = arith.constant 0 : i32
    %dma_start3A_14 = tpu.memref_slice %arg2[%dma_start3A_12, %dma_start3A_13] : memref<10240x128xf32, #tpu.memory_space<hbm>> -> memref<10240x128xf32, #tpu.memory_space<hbm>>
    tpu.enqueue_indirect_dma source(%dma_start3A_14 : memref<10240x128xf32, #tpu.memory_space<hbm>>) target(%arg9 : memref<128x128xf32, #tpu.memory_space<vmem>>) offsets(%dma_start3A_11 : memref<128xi32, #tpu.memory_space<vmem>>) semaphore(%arg12 : memref<!tpu.dma_semaphore, #tpu.memory_space<semaphore_mem>>)
    %scan3A = arith.constant 0 : i32
    %scan3A_15 = arith.constant 0 : i32
    %scan3A_16 = arith.constant 20 : i32
    %scan3A_17 = arith.addi %scan3A_15, %scan3A_16 : i32
    %scan3A_18 = arith.constant 1 : i32
    %scan3A_19 = scf.for %scan3A_53 = %scan3A_15 to %scan3A_17 step %scan3A_18 iter_args(%scan3A_54 = %scan3A) -> (i32)  : i32 {
      %mul3A_55 = arith.constant 2 : i32
      %mul3A_56 = arith.muli %mul3A_55, %scan3A_53 : i32
      %add3A_57 = arith.constant 1 : i32
      %add3A_58 = arith.addi %mul3A_56, %add3A_57 : i32
      %dma_start3A_59 = arith.constant 0 : i32
      %dma_start3A_60 = tpu.memref_slice %arg7[%add3A_58, %dma_start3A_59] : memref<40x128xi32, #tpu.memory_space<vmem>> -> memref<1x128xi32, #tpu.memory_space<vmem>>
      %dma_start3A_61 = tpu.memref_squeeze %dma_start3A_60 : memref<1x128xi32, #tpu.memory_space<vmem>> -> memref<128xi32, #tpu.memory_space<vmem>>
      %dma_start3A_62 = arith.constant 0 : i32
      %dma_start3A_63 = arith.constant 0 : i32
      %dma_start3A_64 = tpu.memref_slice %arg2[%dma_start3A_62, %dma_start3A_63] : memref<10240x128xf32, #tpu.memory_space<hbm>> -> memref<10240x128xf32, #tpu.memory_space<hbm>>
      tpu.enqueue_indirect_dma source(%dma_start3A_64 : memref<10240x128xf32, #tpu.memory_space<hbm>>) target(%arg10 : memref<128x128xf32, #tpu.memory_space<vmem>>) offsets(%dma_start3A_61 : memref<128xi32, #tpu.memory_space<vmem>>) semaphore(%arg13 : memref<!tpu.dma_semaphore, #tpu.memory_space<semaphore_mem>>)
      %dma_wait3A_65 = arith.constant 0 : i32
      %dma_wait3A_66 = tpu.memref_slice %arg7[%mul3A_56, %dma_wait3A_65] : memref<40x128xi32, #tpu.memory_space<vmem>> -> memref<1x128xi32, #tpu.memory_space<vmem>>
      %dma_wait3A_67 = tpu.memref_squeeze %dma_wait3A_66 : memref<1x128xi32, #tpu.memory_space<vmem>> -> memref<128xi32, #tpu.memory_space<vmem>>
      %dma_wait3A_68 = arith.constant 0 : i32
      %dma_wait3A_69 = arith.constant 0 : i32
      %dma_wait3A_70 = tpu.memref_slice %arg2[%dma_wait3A_68, %dma_wait3A_69] : memref<10240x128xf32, #tpu.memory_space<hbm>> -> memref<10240x128xf32, #tpu.memory_space<hbm>>
      tpu.wait_indirect_dma semaphore(%arg12 : memref<!tpu.dma_semaphore, #tpu.memory_space<semaphore_mem>>) src(%dma_wait3A_70 : memref<10240x128xf32, #tpu.memory_space<hbm>>) dst(%arg9 : memref<128x128xf32, #tpu.memory_space<vmem>>)
      "tpu.region"() ({
        %run_scoped3A = tpu.sem_alloc : memref<!tpu.dma_semaphore, #tpu.memory_space<semaphore_mem>>
        %dma_start3A_91 = arith.constant 0 : i32
        %dma_start3A_92 = tpu.memref_slice %arg8[%mul3A_56, %dma_start3A_91] : memref<40x128xi32, #tpu.memory_space<vmem>> -> memref<1x128xi32, #tpu.memory_space<vmem>>
        %dma_start3A_93 = tpu.memref_squeeze %dma_start3A_92 : memref<1x128xi32, #tpu.memory_space<vmem>> -> memref<128xi32, #tpu.memory_space<vmem>>
        %dma_start3A_94 = arith.constant 0 : i32
        %dma_start3A_95 = arith.constant 0 : i32
        %dma_start3A_96 = tpu.memref_slice %arg11[%dma_start3A_94, %dma_start3A_95] : memref<10240x128xf32, #tpu.memory_space<vmem_shared>> -> memref<10240x128xf32, #tpu.memory_space<vmem_shared>>
        tpu.enqueue_indirect_dma source(%arg9 : memref<128x128xf32, #tpu.memory_space<vmem>>) target(%dma_start3A_96 : memref<10240x128xf32, #tpu.memory_space<vmem_shared>>) offsets(%dma_start3A_93 : memref<128xi32, #tpu.memory_space<vmem>>) semaphore(%run_scoped3A : memref<!tpu.dma_semaphore, #tpu.memory_space<semaphore_mem>>) {add = true}
        %dma_wait3A_97 = arith.constant 0 : i32
        %dma_wait3A_98 = tpu.memref_slice %arg8[%mul3A_56, %dma_wait3A_97] : memref<40x128xi32, #tpu.memory_space<vmem>> -> memref<1x128xi32, #tpu.memory_space<vmem>>
        %dma_wait3A_99 = tpu.memref_squeeze %dma_wait3A_98 : memref<1x128xi32, #tpu.memory_space<vmem>> -> memref<128xi32, #tpu.memory_space<vmem>>
        %dma_wait3A_100 = arith.constant 0 : i32
        %dma_wait3A_101 = arith.constant 0 : i32
        %dma_wait3A_102 = tpu.memref_slice %arg11[%dma_wait3A_100, %dma_wait3A_101] : memref<10240x128xf32, #tpu.memory_space<vmem_shared>> -> memref<10240x128xf32, #tpu.memory_space<vmem_shared>>
        tpu.wait_indirect_dma semaphore(%run_scoped3A : memref<!tpu.dma_semaphore, #tpu.memory_space<semaphore_mem>>) src(%arg9 : memref<128x128xf32, #tpu.memory_space<vmem>>) dst(%dma_wait3A_102 : memref<10240x128xf32, #tpu.memory_space<vmem_shared>>)
        tpu.yield
      }) : () -> ()
      %add3A_71 = arith.constant 2 : i32
      %add3A_72 = arith.addi %mul3A_56, %add3A_71 : i32
      %min3A = arith.constant 39 : i32
      %min3A_73 = arith.minsi %add3A_72, %min3A : i32
      %dma_start3A_74 = arith.constant 0 : i32
      %dma_start3A_75 = tpu.memref_slice %arg7[%min3A_73, %dma_start3A_74] : memref<40x128xi32, #tpu.memory_space<vmem>> -> memref<1x128xi32, #tpu.memory_space<vmem>>
      %dma_start3A_76 = tpu.memref_squeeze %dma_start3A_75 : memref<1x128xi32, #tpu.memory_space<vmem>> -> memref<128xi32, #tpu.memory_space<vmem>>
      %dma_start3A_77 = arith.constant 0 : i32
      %dma_start3A_78 = arith.constant 0 : i32
      %dma_start3A_79 = tpu.memref_slice %arg2[%dma_start3A_77, %dma_start3A_78] : memref<10240x128xf32, #tpu.memory_space<hbm>> -> memref<10240x128xf32, #tpu.memory_space<hbm>>
      tpu.enqueue_indirect_dma source(%dma_start3A_79 : memref<10240x128xf32, #tpu.memory_space<hbm>>) target(%arg9 : memref<128x128xf32, #tpu.memory_space<vmem>>) offsets(%dma_start3A_76 : memref<128xi32, #tpu.memory_space<vmem>>) semaphore(%arg12 : memref<!tpu.dma_semaphore, #tpu.memory_space<semaphore_mem>>)
      %add3A_80 = arith.constant 1 : i32
      %add3A_81 = arith.addi %mul3A_56, %add3A_80 : i32
      %dma_wait3A_82 = arith.constant 0 : i32
      %dma_wait3A_83 = tpu.memref_slice %arg7[%add3A_81, %dma_wait3A_82] : memref<40x128xi32, #tpu.memory_space<vmem>> -> memref<1x128xi32, #tpu.memory_space<vmem>>
      %dma_wait3A_84 = tpu.memref_squeeze %dma_wait3A_83 : memref<1x128xi32, #tpu.memory_space<vmem>> -> memref<128xi32, #tpu.memory_space<vmem>>
      %dma_wait3A_85 = arith.constant 0 : i32
      %dma_wait3A_86 = arith.constant 0 : i32
      %dma_wait3A_87 = tpu.memref_slice %arg2[%dma_wait3A_85, %dma_wait3A_86] : memref<10240x128xf32, #tpu.memory_space<hbm>> -> memref<10240x128xf32, #tpu.memory_space<hbm>>
      tpu.wait_indirect_dma semaphore(%arg13 : memref<!tpu.dma_semaphore, #tpu.memory_space<semaphore_mem>>) src(%dma_wait3A_87 : memref<10240x128xf32, #tpu.memory_space<hbm>>) dst(%arg10 : memref<128x128xf32, #tpu.memory_space<vmem>>)
      %add3A_88 = arith.constant 1 : i32
      %add3A_89 = arith.addi %mul3A_56, %add3A_88 : i32
      "tpu.region"() ({
        %run_scoped3A = tpu.sem_alloc : memref<!tpu.dma_semaphore, #tpu.memory_space<semaphore_mem>>
        %dma_start3A_91 = arith.constant 0 : i32
        %dma_start3A_92 = tpu.memref_slice %arg8[%add3A_89, %dma_start3A_91] : memref<40x128xi32, #tpu.memory_space<vmem>> -> memref<1x128xi32, #tpu.memory_space<vmem>>
        %dma_start3A_93 = tpu.memref_squeeze %dma_start3A_92 : memref<1x128xi32, #tpu.memory_space<vmem>> -> memref<128xi32, #tpu.memory_space<vmem>>
        %dma_start3A_94 = arith.constant 0 : i32
        %dma_start3A_95 = arith.constant 0 : i32
        %dma_start3A_96 = tpu.memref_slice %arg11[%dma_start3A_94, %dma_start3A_95] : memref<10240x128xf32, #tpu.memory_space<vmem_shared>> -> memref<10240x128xf32, #tpu.memory_space<vmem_shared>>
        tpu.enqueue_indirect_dma source(%arg10 : memref<128x128xf32, #tpu.memory_space<vmem>>) target(%dma_start3A_96 : memref<10240x128xf32, #tpu.memory_space<vmem_shared>>) offsets(%dma_start3A_93 : memref<128xi32, #tpu.memory_space<vmem>>) semaphore(%run_scoped3A : memref<!tpu.dma_semaphore, #tpu.memory_space<semaphore_mem>>) {add = true}
        %dma_wait3A_97 = arith.constant 0 : i32
        %dma_wait3A_98 = tpu.memref_slice %arg8[%add3A_89, %dma_wait3A_97] : memref<40x128xi32, #tpu.memory_space<vmem>> -> memref<1x128xi32, #tpu.memory_space<vmem>>
        %dma_wait3A_99 = tpu.memref_squeeze %dma_wait3A_98 : memref<1x128xi32, #tpu.memory_space<vmem>> -> memref<128xi32, #tpu.memory_space<vmem>>
        %dma_wait3A_100 = arith.constant 0 : i32
        %dma_wait3A_101 = arith.constant 0 : i32
        %dma_wait3A_102 = tpu.memref_slice %arg11[%dma_wait3A_100, %dma_wait3A_101] : memref<10240x128xf32, #tpu.memory_space<vmem_shared>> -> memref<10240x128xf32, #tpu.memory_space<vmem_shared>>
        tpu.wait_indirect_dma semaphore(%run_scoped3A : memref<!tpu.dma_semaphore, #tpu.memory_space<semaphore_mem>>) src(%arg10 : memref<128x128xf32, #tpu.memory_space<vmem>>) dst(%dma_wait3A_102 : memref<10240x128xf32, #tpu.memory_space<vmem_shared>>)
        tpu.yield
      }) : () -> ()
      %scan3A_90 = arith.constant 0 : i32
      scf.yield %scan3A_90 : i32
    }
    %scan3A_20 = arith.constant 20 : i32
    %dma_wait3A = arith.constant 39 : i32
    %dma_wait3A_21 = arith.constant 0 : i32
    %dma_wait3A_22 = tpu.memref_slice %arg7[%dma_wait3A, %dma_wait3A_21] : memref<40x128xi32, #tpu.memory_space<vmem>> -> memref<1x128xi32, #tpu.memory_space<vmem>>
    %dma_wait3A_23 = tpu.memref_squeeze %dma_wait3A_22 : memref<1x128xi32, #tpu.memory_space<vmem>> -> memref<128xi32, #tpu.memory_space<vmem>>
    %dma_wait3A_24 = arith.constant 0 : i32
    %dma_wait3A_25 = arith.constant 0 : i32
    %dma_wait3A_26 = tpu.memref_slice %arg2[%dma_wait3A_24, %dma_wait3A_25] : memref<10240x128xf32, #tpu.memory_space<hbm>> -> memref<10240x128xf32, #tpu.memory_space<hbm>>
    tpu.wait_indirect_dma semaphore(%arg12 : memref<!tpu.dma_semaphore, #tpu.memory_space<semaphore_mem>>) src(%dma_wait3A_26 : memref<10240x128xf32, #tpu.memory_space<hbm>>) dst(%arg9 : memref<128x128xf32, #tpu.memory_space<vmem>>)
    %add3A_27 = arith.constant 40 : i32
    %add3A_28 = arith.addi %mul3A_4, %add3A_27 : i32
    "tpu.region"() ({
      %run_scoped3A = tpu.sem_alloc : memref<!tpu.dma_semaphore, #tpu.memory_space<semaphore_mem>>
      %dma_start3A_53 = arith.constant 0 : i32
      %dma_start3A_54 = tpu.memref_slice %arg3[%add3A_28, %dma_start3A_53] : memref<2560x128xi32, #tpu.memory_space<hbm>> -> memref<40x128xi32, #tpu.memory_space<hbm>>
      %dma_start3A_55 = arith.constant 0 : i32
      %dma_start3A_56 = tpu.memref_slice %arg3[%add3A_28, %dma_start3A_55] : memref<2560x128xi32, #tpu.memory_space<hbm>> -> memref<40x128xi32, #tpu.memory_space<hbm>>
      tpu.enqueue_dma source(%dma_start3A_56 : memref<40x128xi32, #tpu.memory_space<hbm>>) target(%arg7 : memref<40x128xi32, #tpu.memory_space<vmem>>) target_semaphore(%run_scoped3A : memref<!tpu.dma_semaphore, #tpu.memory_space<semaphore_mem>>)
      %dma_wait3A_57 = arith.constant 0 : i32
      %dma_wait3A_58 = tpu.memref_slice %arg3[%add3A_28, %dma_wait3A_57] : memref<2560x128xi32, #tpu.memory_space<hbm>> -> memref<40x128xi32, #tpu.memory_space<hbm>>
      %dma_wait3A_59 = arith.constant 0 : i32
      %dma_wait3A_60 = tpu.memref_slice %arg3[%add3A_28, %dma_wait3A_59] : memref<2560x128xi32, #tpu.memory_space<hbm>> -> memref<40x128xi32, #tpu.memory_space<hbm>>
      tpu.wait_dma2 semaphore(%run_scoped3A : memref<!tpu.dma_semaphore, #tpu.memory_space<semaphore_mem>>) src(%dma_wait3A_60 : memref<40x128xi32, #tpu.memory_space<hbm>>) dst(%arg7 : memref<40x128xi32, #tpu.memory_space<vmem>>)
      tpu.yield
    }) : () -> ()
    %add3A_29 = arith.constant 40 : i32
    %add3A_30 = arith.addi %mul3A_4, %add3A_29 : i32
    "tpu.region"() ({
      %run_scoped3A = tpu.sem_alloc : memref<!tpu.dma_semaphore, #tpu.memory_space<semaphore_mem>>
      %dma_start3A_53 = arith.constant 0 : i32
      %dma_start3A_54 = tpu.memref_slice %arg4[%add3A_30, %dma_start3A_53] : memref<2560x128xi32, #tpu.memory_space<hbm>> -> memref<40x128xi32, #tpu.memory_space<hbm>>
      %dma_start3A_55 = arith.constant 0 : i32
      %dma_start3A_56 = tpu.memref_slice %arg4[%add3A_30, %dma_start3A_55] : memref<2560x128xi32, #tpu.memory_space<hbm>> -> memref<40x128xi32, #tpu.memory_space<hbm>>
      tpu.enqueue_dma source(%dma_start3A_56 : memref<40x128xi32, #tpu.memory_space<hbm>>) target(%arg8 : memref<40x128xi32, #tpu.memory_space<vmem>>) target_semaphore(%run_scoped3A : memref<!tpu.dma_semaphore, #tpu.memory_space<semaphore_mem>>)
      %dma_wait3A_57 = arith.constant 0 : i32
      %dma_wait3A_58 = tpu.memref_slice %arg4[%add3A_30, %dma_wait3A_57] : memref<2560x128xi32, #tpu.memory_space<hbm>> -> memref<40x128xi32, #tpu.memory_space<hbm>>
      %dma_wait3A_59 = arith.constant 0 : i32
      %dma_wait3A_60 = tpu.memref_slice %arg4[%add3A_30, %dma_wait3A_59] : memref<2560x128xi32, #tpu.memory_space<hbm>> -> memref<40x128xi32, #tpu.memory_space<hbm>>
      tpu.wait_dma2 semaphore(%run_scoped3A : memref<!tpu.dma_semaphore, #tpu.memory_space<semaphore_mem>>) src(%dma_wait3A_60 : memref<40x128xi32, #tpu.memory_space<hbm>>) dst(%arg8 : memref<40x128xi32, #tpu.memory_space<vmem>>)
      tpu.yield
    }) : () -> ()
    %dma_start3A_31 = arith.constant 0 : i32
    %dma_start3A_32 = arith.constant 0 : i32
    %dma_start3A_33 = tpu.memref_slice %arg7[%dma_start3A_31, %dma_start3A_32] : memref<40x128xi32, #tpu.memory_space<vmem>> -> memref<1x128xi32, #tpu.memory_space<vmem>>
    %dma_start3A_34 = tpu.memref_squeeze %dma_start3A_33 : memref<1x128xi32, #tpu.memory_space<vmem>> -> memref<128xi32, #tpu.memory_space<vmem>>
    %dma_start3A_35 = arith.constant 0 : i32
    %dma_start3A_36 = arith.constant 0 : i32
    %dma_start3A_37 = tpu.memref_slice %arg2[%dma_start3A_35, %dma_start3A_36] : memref<10240x128xf32, #tpu.memory_space<hbm>> -> memref<10240x128xf32, #tpu.memory_space<hbm>>
    tpu.enqueue_indirect_dma source(%dma_start3A_37 : memref<10240x128xf32, #tpu.memory_space<hbm>>) target(%arg9 : memref<128x128xf32, #tpu.memory_space<vmem>>) offsets(%dma_start3A_34 : memref<128xi32, #tpu.memory_space<vmem>>) semaphore(%arg12 : memref<!tpu.dma_semaphore, #tpu.memory_space<semaphore_mem>>)
    %scan3A_38 = arith.constant 0 : i32
    %scan3A_39 = arith.constant 0 : i32
    %scan3A_40 = arith.constant 20 : i32
    %scan3A_41 = arith.addi %scan3A_39, %scan3A_40 : i32
    %scan3A_42 = arith.constant 1 : i32
    %scan3A_43 = scf.for %scan3A_53 = %scan3A_39 to %scan3A_41 step %scan3A_42 iter_args(%scan3A_54 = %scan3A_38) -> (i32)  : i32 {
      %mul3A_55 = arith.constant 2 : i32
      %mul3A_56 = arith.muli %mul3A_55, %scan3A_53 : i32
      %add3A_57 = arith.constant 1 : i32
      %add3A_58 = arith.addi %mul3A_56, %add3A_57 : i32
      %dma_start3A_59 = arith.constant 0 : i32
      %dma_start3A_60 = tpu.memref_slice %arg7[%add3A_58, %dma_start3A_59] : memref<40x128xi32, #tpu.memory_space<vmem>> -> memref<1x128xi32, #tpu.memory_space<vmem>>
      %dma_start3A_61 = tpu.memref_squeeze %dma_start3A_60 : memref<1x128xi32, #tpu.memory_space<vmem>> -> memref<128xi32, #tpu.memory_space<vmem>>
      %dma_start3A_62 = arith.constant 0 : i32
      %dma_start3A_63 = arith.constant 0 : i32
      %dma_start3A_64 = tpu.memref_slice %arg2[%dma_start3A_62, %dma_start3A_63] : memref<10240x128xf32, #tpu.memory_space<hbm>> -> memref<10240x128xf32, #tpu.memory_space<hbm>>
      tpu.enqueue_indirect_dma source(%dma_start3A_64 : memref<10240x128xf32, #tpu.memory_space<hbm>>) target(%arg10 : memref<128x128xf32, #tpu.memory_space<vmem>>) offsets(%dma_start3A_61 : memref<128xi32, #tpu.memory_space<vmem>>) semaphore(%arg13 : memref<!tpu.dma_semaphore, #tpu.memory_space<semaphore_mem>>)
      %dma_wait3A_65 = arith.constant 0 : i32
      %dma_wait3A_66 = tpu.memref_slice %arg7[%mul3A_56, %dma_wait3A_65] : memref<40x128xi32, #tpu.memory_space<vmem>> -> memref<1x128xi32, #tpu.memory_space<vmem>>
      %dma_wait3A_67 = tpu.memref_squeeze %dma_wait3A_66 : memref<1x128xi32, #tpu.memory_space<vmem>> -> memref<128xi32, #tpu.memory_space<vmem>>
      %dma_wait3A_68 = arith.constant 0 : i32
      %dma_wait3A_69 = arith.constant 0 : i32
      %dma_wait3A_70 = tpu.memref_slice %arg2[%dma_wait3A_68, %dma_wait3A_69] : memref<10240x128xf32, #tpu.memory_space<hbm>> -> memref<10240x128xf32, #tpu.memory_space<hbm>>
      tpu.wait_indirect_dma semaphore(%arg12 : memref<!tpu.dma_semaphore, #tpu.memory_space<semaphore_mem>>) src(%dma_wait3A_70 : memref<10240x128xf32, #tpu.memory_space<hbm>>) dst(%arg9 : memref<128x128xf32, #tpu.memory_space<vmem>>)
      "tpu.region"() ({
        %run_scoped3A = tpu.sem_alloc : memref<!tpu.dma_semaphore, #tpu.memory_space<semaphore_mem>>
        %dma_start3A_91 = arith.constant 0 : i32
        %dma_start3A_92 = tpu.memref_slice %arg8[%mul3A_56, %dma_start3A_91] : memref<40x128xi32, #tpu.memory_space<vmem>> -> memref<1x128xi32, #tpu.memory_space<vmem>>
        %dma_start3A_93 = tpu.memref_squeeze %dma_start3A_92 : memref<1x128xi32, #tpu.memory_space<vmem>> -> memref<128xi32, #tpu.memory_space<vmem>>
        %dma_start3A_94 = arith.constant 0 : i32
        %dma_start3A_95 = arith.constant 0 : i32
        %dma_start3A_96 = tpu.memref_slice %arg11[%dma_start3A_94, %dma_start3A_95] : memref<10240x128xf32, #tpu.memory_space<vmem_shared>> -> memref<10240x128xf32, #tpu.memory_space<vmem_shared>>
        tpu.enqueue_indirect_dma source(%arg9 : memref<128x128xf32, #tpu.memory_space<vmem>>) target(%dma_start3A_96 : memref<10240x128xf32, #tpu.memory_space<vmem_shared>>) offsets(%dma_start3A_93 : memref<128xi32, #tpu.memory_space<vmem>>) semaphore(%run_scoped3A : memref<!tpu.dma_semaphore, #tpu.memory_space<semaphore_mem>>) {add = true}
        %dma_wait3A_97 = arith.constant 0 : i32
        %dma_wait3A_98 = tpu.memref_slice %arg8[%mul3A_56, %dma_wait3A_97] : memref<40x128xi32, #tpu.memory_space<vmem>> -> memref<1x128xi32, #tpu.memory_space<vmem>>
        %dma_wait3A_99 = tpu.memref_squeeze %dma_wait3A_98 : memref<1x128xi32, #tpu.memory_space<vmem>> -> memref<128xi32, #tpu.memory_space<vmem>>
        %dma_wait3A_100 = arith.constant 0 : i32
        %dma_wait3A_101 = arith.constant 0 : i32
        %dma_wait3A_102 = tpu.memref_slice %arg11[%dma_wait3A_100, %dma_wait3A_101] : memref<10240x128xf32, #tpu.memory_space<vmem_shared>> -> memref<10240x128xf32, #tpu.memory_space<vmem_shared>>
        tpu.wait_indirect_dma semaphore(%run_scoped3A : memref<!tpu.dma_semaphore, #tpu.memory_space<semaphore_mem>>) src(%arg9 : memref<128x128xf32, #tpu.memory_space<vmem>>) dst(%dma_wait3A_102 : memref<10240x128xf32, #tpu.memory_space<vmem_shared>>)
        tpu.yield
      }) : () -> ()
      %add3A_71 = arith.constant 2 : i32
      %add3A_72 = arith.addi %mul3A_56, %add3A_71 : i32
      %min3A = arith.constant 39 : i32
      %min3A_73 = arith.minsi %add3A_72, %min3A : i32
      %dma_start3A_74 = arith.constant 0 : i32
      %dma_start3A_75 = tpu.memref_slice %arg7[%min3A_73, %dma_start3A_74] : memref<40x128xi32, #tpu.memory_space<vmem>> -> memref<1x128xi32, #tpu.memory_space<vmem>>
      %dma_start3A_76 = tpu.memref_squeeze %dma_start3A_75 : memref<1x128xi32, #tpu.memory_space<vmem>> -> memref<128xi32, #tpu.memory_space<vmem>>
      %dma_start3A_77 = arith.constant 0 : i32
      %dma_start3A_78 = arith.constant 0 : i32
      %dma_start3A_79 = tpu.memref_slice %arg2[%dma_start3A_77, %dma_start3A_78] : memref<10240x128xf32, #tpu.memory_space<hbm>> -> memref<10240x128xf32, #tpu.memory_space<hbm>>
      tpu.enqueue_indirect_dma source(%dma_start3A_79 : memref<10240x128xf32, #tpu.memory_space<hbm>>) target(%arg9 : memref<128x128xf32, #tpu.memory_space<vmem>>) offsets(%dma_start3A_76 : memref<128xi32, #tpu.memory_space<vmem>>) semaphore(%arg12 : memref<!tpu.dma_semaphore, #tpu.memory_space<semaphore_mem>>)
      %add3A_80 = arith.constant 1 : i32
      %add3A_81 = arith.addi %mul3A_56, %add3A_80 : i32
      %dma_wait3A_82 = arith.constant 0 : i32
      %dma_wait3A_83 = tpu.memref_slice %arg7[%add3A_81, %dma_wait3A_82] : memref<40x128xi32, #tpu.memory_space<vmem>> -> memref<1x128xi32, #tpu.memory_space<vmem>>
      %dma_wait3A_84 = tpu.memref_squeeze %dma_wait3A_83 : memref<1x128xi32, #tpu.memory_space<vmem>> -> memref<128xi32, #tpu.memory_space<vmem>>
      %dma_wait3A_85 = arith.constant 0 : i32
      %dma_wait3A_86 = arith.constant 0 : i32
      %dma_wait3A_87 = tpu.memref_slice %arg2[%dma_wait3A_85, %dma_wait3A_86] : memref<10240x128xf32, #tpu.memory_space<hbm>> -> memref<10240x128xf32, #tpu.memory_space<hbm>>
      tpu.wait_indirect_dma semaphore(%arg13 : memref<!tpu.dma_semaphore, #tpu.memory_space<semaphore_mem>>) src(%dma_wait3A_87 : memref<10240x128xf32, #tpu.memory_space<hbm>>) dst(%arg10 : memref<128x128xf32, #tpu.memory_space<vmem>>)
      %add3A_88 = arith.constant 1 : i32
      %add3A_89 = arith.addi %mul3A_56, %add3A_88 : i32
      "tpu.region"() ({
        %run_scoped3A = tpu.sem_alloc : memref<!tpu.dma_semaphore, #tpu.memory_space<semaphore_mem>>
        %dma_start3A_91 = arith.constant 0 : i32
        %dma_start3A_92 = tpu.memref_slice %arg8[%add3A_89, %dma_start3A_91] : memref<40x128xi32, #tpu.memory_space<vmem>> -> memref<1x128xi32, #tpu.memory_space<vmem>>
        %dma_start3A_93 = tpu.memref_squeeze %dma_start3A_92 : memref<1x128xi32, #tpu.memory_space<vmem>> -> memref<128xi32, #tpu.memory_space<vmem>>
        %dma_start3A_94 = arith.constant 0 : i32
        %dma_start3A_95 = arith.constant 0 : i32
        %dma_start3A_96 = tpu.memref_slice %arg11[%dma_start3A_94, %dma_start3A_95] : memref<10240x128xf32, #tpu.memory_space<vmem_shared>> -> memref<10240x128xf32, #tpu.memory_space<vmem_shared>>
        tpu.enqueue_indirect_dma source(%arg10 : memref<128x128xf32, #tpu.memory_space<vmem>>) target(%dma_start3A_96 : memref<10240x128xf32, #tpu.memory_space<vmem_shared>>) offsets(%dma_start3A_93 : memref<128xi32, #tpu.memory_space<vmem>>) semaphore(%run_scoped3A : memref<!tpu.dma_semaphore, #tpu.memory_space<semaphore_mem>>) {add = true}
        %dma_wait3A_97 = arith.constant 0 : i32
        %dma_wait3A_98 = tpu.memref_slice %arg8[%add3A_89, %dma_wait3A_97] : memref<40x128xi32, #tpu.memory_space<vmem>> -> memref<1x128xi32, #tpu.memory_space<vmem>>
        %dma_wait3A_99 = tpu.memref_squeeze %dma_wait3A_98 : memref<1x128xi32, #tpu.memory_space<vmem>> -> memref<128xi32, #tpu.memory_space<vmem>>
        %dma_wait3A_100 = arith.constant 0 : i32
        %dma_wait3A_101 = arith.constant 0 : i32
        %dma_wait3A_102 = tpu.memref_slice %arg11[%dma_wait3A_100, %dma_wait3A_101] : memref<10240x128xf32, #tpu.memory_space<vmem_shared>> -> memref<10240x128xf32, #tpu.memory_space<vmem_shared>>
        tpu.wait_indirect_dma semaphore(%run_scoped3A : memref<!tpu.dma_semaphore, #tpu.memory_space<semaphore_mem>>) src(%arg10 : memref<128x128xf32, #tpu.memory_space<vmem>>) dst(%dma_wait3A_102 : memref<10240x128xf32, #tpu.memory_space<vmem_shared>>)
        tpu.yield
      }) : () -> ()
      %scan3A_90 = arith.constant 0 : i32
      scf.yield %scan3A_90 : i32
    }
    %scan3A_44 = arith.constant 20 : i32
    %dma_wait3A_45 = arith.constant 39 : i32
    %dma_wait3A_46 = arith.constant 0 : i32
    %dma_wait3A_47 = tpu.memref_slice %arg7[%dma_wait3A_45, %dma_wait3A_46] : memref<40x128xi32, #tpu.memory_space<vmem>> -> memref<1x128xi32, #tpu.memory_space<vmem>>
    %dma_wait3A_48 = tpu.memref_squeeze %dma_wait3A_47 : memref<1x128xi32, #tpu.memory_space<vmem>> -> memref<128xi32, #tpu.memory_space<vmem>>
    %dma_wait3A_49 = arith.constant 0 : i32
    %dma_wait3A_50 = arith.constant 0 : i32
    %dma_wait3A_51 = tpu.memref_slice %arg2[%dma_wait3A_49, %dma_wait3A_50] : memref<10240x128xf32, #tpu.memory_space<hbm>> -> memref<10240x128xf32, #tpu.memory_space<hbm>>
    tpu.wait_indirect_dma semaphore(%arg12 : memref<!tpu.dma_semaphore, #tpu.memory_space<semaphore_mem>>) src(%dma_wait3A_51 : memref<10240x128xf32, #tpu.memory_space<hbm>>) dst(%arg9 : memref<128x128xf32, #tpu.memory_space<vmem>>)
    %barrier3A_52 = arith.constant 0 : index
    tpu.barrier barrier_id(%barrier3A_52)
    "tpu.region"() ({
      %run_scoped3A = tpu.sem_alloc : memref<!tpu.dma_semaphore, #tpu.memory_space<semaphore_mem>>
      %dma_start3A_53 = arith.constant 0 : i32
      %dma_start3A_54 = tpu.memref_slice %arg6[%arg0, %mul3A_0, %dma_start3A_53] : memref<2x10240x128xf32, #tpu.memory_space<hbm>> -> memref<1x640x128xf32, #tpu.memory_space<hbm>>
      %dma_start3A_55 = tpu.memref_squeeze %dma_start3A_54 : memref<1x640x128xf32, #tpu.memory_space<hbm>> -> memref<640x128xf32, #tpu.memory_space<hbm>>
      %dma_start3A_56 = arith.constant 0 : i32
      %dma_start3A_57 = tpu.memref_slice %arg11[%mul3A_0, %dma_start3A_56] : memref<10240x128xf32, #tpu.memory_space<vmem_shared>> -> memref<640x128xf32, #tpu.memory_space<vmem_shared>>
      tpu.enqueue_dma source(%dma_start3A_57 : memref<640x128xf32, #tpu.memory_space<vmem_shared>>) target(%dma_start3A_55 : memref<640x128xf32, #tpu.memory_space<hbm>>) target_semaphore(%run_scoped3A : memref<!tpu.dma_semaphore, #tpu.memory_space<semaphore_mem>>)
      %dma_wait3A_58 = arith.constant 0 : i32
      %dma_wait3A_59 = tpu.memref_slice %arg6[%arg0, %mul3A_0, %dma_wait3A_58] : memref<2x10240x128xf32, #tpu.memory_space<hbm>> -> memref<1x640x128xf32, #tpu.memory_space<hbm>>
      %dma_wait3A_60 = tpu.memref_squeeze %dma_wait3A_59 : memref<1x640x128xf32, #tpu.memory_space<hbm>> -> memref<640x128xf32, #tpu.memory_space<hbm>>
      %dma_wait3A_61 = arith.constant 0 : i32
      %dma_wait3A_62 = tpu.memref_slice %arg11[%mul3A_0, %dma_wait3A_61] : memref<10240x128xf32, #tpu.memory_space<vmem_shared>> -> memref<640x128xf32, #tpu.memory_space<vmem_shared>>
      tpu.wait_dma2 semaphore(%run_scoped3A : memref<!tpu.dma_semaphore, #tpu.memory_space<semaphore_mem>>) src(%dma_wait3A_62 : memref<640x128xf32, #tpu.memory_space<vmem_shared>>) dst(%dma_wait3A_60 : memref<640x128xf32, #tpu.memory_space<hbm>>)
      tpu.yield
    }) : () -> ()
    return
  }
}

#map = affine_map<(d0, d1) -> (0, 0)>
#map1 = affine_map<(d0, d1) -> (0, 0, 0)>
module attributes {stable_mosaic.version = 14 : i64} {
  func.func @_agg_body(%arg0: i32, %arg1: i32, %arg2: memref<10240x128xf32, #tpu.memory_space<hbm>>, %arg3: memref<2560x128xi32, #tpu.memory_space<hbm>>, %arg4: memref<2560x128xi32, #tpu.memory_space<hbm>>, %arg5: memref<10240x128xf32, #tpu.memory_space<hbm>>, %arg6: memref<2x10240x128xf32, #tpu.memory_space<hbm>>, %arg7: memref<40x128xi32, #tpu.memory_space<vmem>>, %arg8: memref<40x128xi32, #tpu.memory_space<vmem>>, %arg9: memref<128x128xf32, #tpu.memory_space<vmem>>, %arg10: memref<128x128xf32, #tpu.memory_space<vmem>>, %arg11: memref<10240x128xf32, #tpu.memory_space<vmem_shared>>, %arg12: memref<!tpu.dma_semaphore, #tpu.memory_space<semaphore_mem>>, %arg13: memref<!tpu.dma_semaphore, #tpu.memory_space<semaphore_mem>>) attributes {dimension_semantics = [#tpu.dimension_semantics<core_parallel>, #tpu.dimension_semantics<subcore_parallel>], iteration_bounds = array<i64: 2, 16>, scalar_prefetch = 0 : i64, scratch_operands = 7 : i64, tpu.core_type = #tpu.core_type<sc_vector_subcore>, window_params = [{transform_indices = #map}, {transform_indices = #map}, {transform_indices = #map}, {transform_indices = #map}, {transform_indices = #map1}]} {
    %mul3A = arith.constant 640 : i32
    %mul3A_0 = arith.muli %arg1, %mul3A : i32
    "tpu.region"() ({
      %run_scoped3A = tpu.sem_alloc : memref<!tpu.dma_semaphore, #tpu.memory_space<semaphore_mem>>
      %dma_start3A_53 = arith.constant 0 : i32
      %dma_start3A_54 = tpu.memref_slice %arg11[%mul3A_0, %dma_start3A_53] : memref<10240x128xf32, #tpu.memory_space<vmem_shared>> -> memref<640x128xf32, #tpu.memory_space<vmem_shared>>
      %dma_start3A_55 = arith.constant 0 : i32
      %dma_start3A_56 = tpu.memref_slice %arg5[%mul3A_0, %dma_start3A_55] : memref<10240x128xf32, #tpu.memory_space<hbm>> -> memref<640x128xf32, #tpu.memory_space<hbm>>
      tpu.enqueue_dma source(%dma_start3A_56 : memref<640x128xf32, #tpu.memory_space<hbm>>) target(%dma_start3A_54 : memref<640x128xf32, #tpu.memory_space<vmem_shared>>) target_semaphore(%run_scoped3A : memref<!tpu.dma_semaphore, #tpu.memory_space<semaphore_mem>>)
      %dma_wait3A_57 = arith.constant 0 : i32
      %dma_wait3A_58 = tpu.memref_slice %arg11[%mul3A_0, %dma_wait3A_57] : memref<10240x128xf32, #tpu.memory_space<vmem_shared>> -> memref<640x128xf32, #tpu.memory_space<vmem_shared>>
      %dma_wait3A_59 = arith.constant 0 : i32
      %dma_wait3A_60 = tpu.memref_slice %arg5[%mul3A_0, %dma_wait3A_59] : memref<10240x128xf32, #tpu.memory_space<hbm>> -> memref<640x128xf32, #tpu.memory_space<hbm>>
      tpu.wait_dma2 semaphore(%run_scoped3A : memref<!tpu.dma_semaphore, #tpu.memory_space<semaphore_mem>>) src(%dma_wait3A_60 : memref<640x128xf32, #tpu.memory_space<hbm>>) dst(%dma_wait3A_58 : memref<640x128xf32, #tpu.memory_space<vmem_shared>>)
      tpu.yield
    }) : () -> ()
    %mul3A_1 = arith.constant 16 : i32
    %mul3A_2 = arith.muli %arg0, %mul3A_1 : i32
    %add3A = arith.addi %mul3A_2, %arg1 : i32
    %mul3A_3 = arith.constant 80 : i32
    %mul3A_4 = arith.muli %add3A, %mul3A_3 : i32
    %barrier3A = arith.constant 0 : index
    tpu.barrier barrier_id(%barrier3A)
    %add3A_5 = arith.constant 0 : i32
    %add3A_6 = arith.addi %mul3A_4, %add3A_5 : i32
    "tpu.region"() ({
      %run_scoped3A = tpu.sem_alloc : memref<!tpu.dma_semaphore, #tpu.memory_space<semaphore_mem>>
      %dma_start3A_53 = arith.constant 0 : i32
      %dma_start3A_54 = tpu.memref_slice %arg3[%add3A_6, %dma_start3A_53] : memref<2560x128xi32, #tpu.memory_space<hbm>> -> memref<40x128xi32, #tpu.memory_space<hbm>>
      %dma_start3A_55 = arith.constant 0 : i32
      %dma_start3A_56 = tpu.memref_slice %arg3[%add3A_6, %dma_start3A_55] : memref<2560x128xi32, #tpu.memory_space<hbm>> -> memref<40x128xi32, #tpu.memory_space<hbm>>
      tpu.enqueue_dma source(%dma_start3A_56 : memref<40x128xi32, #tpu.memory_space<hbm>>) target(%arg7 : memref<40x128xi32, #tpu.memory_space<vmem>>) target_semaphore(%run_scoped3A : memref<!tpu.dma_semaphore, #tpu.memory_space<semaphore_mem>>)
      %dma_wait3A_57 = arith.constant 0 : i32
      %dma_wait3A_58 = tpu.memref_slice %arg3[%add3A_6, %dma_wait3A_57] : memref<2560x128xi32, #tpu.memory_space<hbm>> -> memref<40x128xi32, #tpu.memory_space<hbm>>
      %dma_wait3A_59 = arith.constant 0 : i32
      %dma_wait3A_60 = tpu.memref_slice %arg3[%add3A_6, %dma_wait3A_59] : memref<2560x128xi32, #tpu.memory_space<hbm>> -> memref<40x128xi32, #tpu.memory_space<hbm>>
      tpu.wait_dma2 semaphore(%run_scoped3A : memref<!tpu.dma_semaphore, #tpu.memory_space<semaphore_mem>>) src(%dma_wait3A_60 : memref<40x128xi32, #tpu.memory_space<hbm>>) dst(%arg7 : memref<40x128xi32, #tpu.memory_space<vmem>>)
      tpu.yield
    }) : () -> ()
    %add3A_7 = arith.constant 0 : i32
    %add3A_8 = arith.addi %mul3A_4, %add3A_7 : i32
    "tpu.region"() ({
      %run_scoped3A = tpu.sem_alloc : memref<!tpu.dma_semaphore, #tpu.memory_space<semaphore_mem>>
      %dma_start3A_53 = arith.constant 0 : i32
      %dma_start3A_54 = tpu.memref_slice %arg4[%add3A_8, %dma_start3A_53] : memref<2560x128xi32, #tpu.memory_space<hbm>> -> memref<40x128xi32, #tpu.memory_space<hbm>>
      %dma_start3A_55 = arith.constant 0 : i32
      %dma_start3A_56 = tpu.memref_slice %arg4[%add3A_8, %dma_start3A_55] : memref<2560x128xi32, #tpu.memory_space<hbm>> -> memref<40x128xi32, #tpu.memory_space<hbm>>
      tpu.enqueue_dma source(%dma_start3A_56 : memref<40x128xi32, #tpu.memory_space<hbm>>) target(%arg8 : memref<40x128xi32, #tpu.memory_space<vmem>>) target_semaphore(%run_scoped3A : memref<!tpu.dma_semaphore, #tpu.memory_space<semaphore_mem>>)
      %dma_wait3A_57 = arith.constant 0 : i32
      %dma_wait3A_58 = tpu.memref_slice %arg4[%add3A_8, %dma_wait3A_57] : memref<2560x128xi32, #tpu.memory_space<hbm>> -> memref<40x128xi32, #tpu.memory_space<hbm>>
      %dma_wait3A_59 = arith.constant 0 : i32
      %dma_wait3A_60 = tpu.memref_slice %arg4[%add3A_8, %dma_wait3A_59] : memref<2560x128xi32, #tpu.memory_space<hbm>> -> memref<40x128xi32, #tpu.memory_space<hbm>>
      tpu.wait_dma2 semaphore(%run_scoped3A : memref<!tpu.dma_semaphore, #tpu.memory_space<semaphore_mem>>) src(%dma_wait3A_60 : memref<40x128xi32, #tpu.memory_space<hbm>>) dst(%arg8 : memref<40x128xi32, #tpu.memory_space<vmem>>)
      tpu.yield
    }) : () -> ()
    %dma_start3A = arith.constant 0 : i32
    %dma_start3A_9 = arith.constant 0 : i32
    %dma_start3A_10 = tpu.memref_slice %arg7[%dma_start3A, %dma_start3A_9] : memref<40x128xi32, #tpu.memory_space<vmem>> -> memref<1x128xi32, #tpu.memory_space<vmem>>
    %dma_start3A_11 = tpu.memref_squeeze %dma_start3A_10 : memref<1x128xi32, #tpu.memory_space<vmem>> -> memref<128xi32, #tpu.memory_space<vmem>>
    %dma_start3A_12 = arith.constant 0 : i32
    %dma_start3A_13 = arith.constant 0 : i32
    %dma_start3A_14 = tpu.memref_slice %arg2[%dma_start3A_12, %dma_start3A_13] : memref<10240x128xf32, #tpu.memory_space<hbm>> -> memref<10240x128xf32, #tpu.memory_space<hbm>>
    tpu.enqueue_indirect_dma source(%dma_start3A_14 : memref<10240x128xf32, #tpu.memory_space<hbm>>) target(%arg9 : memref<128x128xf32, #tpu.memory_space<vmem>>) offsets(%dma_start3A_11 : memref<128xi32, #tpu.memory_space<vmem>>) semaphore(%arg12 : memref<!tpu.dma_semaphore, #tpu.memory_space<semaphore_mem>>)
    %scan3A = arith.constant 0 : i32
    %scan3A_15 = arith.constant 0 : i32
    %scan3A_16 = arith.constant 20 : i32
    %scan3A_17 = arith.addi %scan3A_15, %scan3A_16 : i32
    %scan3A_18 = arith.constant 1 : i32
    %scan3A_19 = scf.for %scan3A_53 = %scan3A_15 to %scan3A_17 step %scan3A_18 iter_args(%scan3A_54 = %scan3A) -> (i32)  : i32 {
      %mul3A_55 = arith.constant 2 : i32
      %mul3A_56 = arith.muli %mul3A_55, %scan3A_53 : i32
      %add3A_57 = arith.constant 1 : i32
      %add3A_58 = arith.addi %mul3A_56, %add3A_57 : i32
      %dma_start3A_59 = arith.constant 0 : i32
      %dma_start3A_60 = tpu.memref_slice %arg7[%add3A_58, %dma_start3A_59] : memref<40x128xi32, #tpu.memory_space<vmem>> -> memref<1x128xi32, #tpu.memory_space<vmem>>
      %dma_start3A_61 = tpu.memref_squeeze %dma_start3A_60 : memref<1x128xi32, #tpu.memory_space<vmem>> -> memref<128xi32, #tpu.memory_space<vmem>>
      %dma_start3A_62 = arith.constant 0 : i32
      %dma_start3A_63 = arith.constant 0 : i32
      %dma_start3A_64 = tpu.memref_slice %arg2[%dma_start3A_62, %dma_start3A_63] : memref<10240x128xf32, #tpu.memory_space<hbm>> -> memref<10240x128xf32, #tpu.memory_space<hbm>>
      tpu.enqueue_indirect_dma source(%dma_start3A_64 : memref<10240x128xf32, #tpu.memory_space<hbm>>) target(%arg10 : memref<128x128xf32, #tpu.memory_space<vmem>>) offsets(%dma_start3A_61 : memref<128xi32, #tpu.memory_space<vmem>>) semaphore(%arg13 : memref<!tpu.dma_semaphore, #tpu.memory_space<semaphore_mem>>)
      %dma_wait3A_65 = arith.constant 0 : i32
      %dma_wait3A_66 = tpu.memref_slice %arg7[%mul3A_56, %dma_wait3A_65] : memref<40x128xi32, #tpu.memory_space<vmem>> -> memref<1x128xi32, #tpu.memory_space<vmem>>
      %dma_wait3A_67 = tpu.memref_squeeze %dma_wait3A_66 : memref<1x128xi32, #tpu.memory_space<vmem>> -> memref<128xi32, #tpu.memory_space<vmem>>
      %dma_wait3A_68 = arith.constant 0 : i32
      %dma_wait3A_69 = arith.constant 0 : i32
      %dma_wait3A_70 = tpu.memref_slice %arg2[%dma_wait3A_68, %dma_wait3A_69] : memref<10240x128xf32, #tpu.memory_space<hbm>> -> memref<10240x128xf32, #tpu.memory_space<hbm>>
      tpu.wait_indirect_dma semaphore(%arg12 : memref<!tpu.dma_semaphore, #tpu.memory_space<semaphore_mem>>) src(%dma_wait3A_70 : memref<10240x128xf32, #tpu.memory_space<hbm>>) dst(%arg9 : memref<128x128xf32, #tpu.memory_space<vmem>>)
      "tpu.region"() ({
        %run_scoped3A = tpu.sem_alloc : memref<!tpu.dma_semaphore, #tpu.memory_space<semaphore_mem>>
        %dma_start3A_91 = arith.constant 0 : i32
        %dma_start3A_92 = tpu.memref_slice %arg8[%mul3A_56, %dma_start3A_91] : memref<40x128xi32, #tpu.memory_space<vmem>> -> memref<1x128xi32, #tpu.memory_space<vmem>>
        %dma_start3A_93 = tpu.memref_squeeze %dma_start3A_92 : memref<1x128xi32, #tpu.memory_space<vmem>> -> memref<128xi32, #tpu.memory_space<vmem>>
        %dma_start3A_94 = arith.constant 0 : i32
        %dma_start3A_95 = arith.constant 0 : i32
        %dma_start3A_96 = tpu.memref_slice %arg11[%dma_start3A_94, %dma_start3A_95] : memref<10240x128xf32, #tpu.memory_space<vmem_shared>> -> memref<10240x128xf32, #tpu.memory_space<vmem_shared>>
        tpu.enqueue_indirect_dma source(%arg9 : memref<128x128xf32, #tpu.memory_space<vmem>>) target(%dma_start3A_96 : memref<10240x128xf32, #tpu.memory_space<vmem_shared>>) offsets(%dma_start3A_93 : memref<128xi32, #tpu.memory_space<vmem>>) semaphore(%run_scoped3A : memref<!tpu.dma_semaphore, #tpu.memory_space<semaphore_mem>>) {add = true}
        %dma_wait3A_97 = arith.constant 0 : i32
        %dma_wait3A_98 = tpu.memref_slice %arg8[%mul3A_56, %dma_wait3A_97] : memref<40x128xi32, #tpu.memory_space<vmem>> -> memref<1x128xi32, #tpu.memory_space<vmem>>
        %dma_wait3A_99 = tpu.memref_squeeze %dma_wait3A_98 : memref<1x128xi32, #tpu.memory_space<vmem>> -> memref<128xi32, #tpu.memory_space<vmem>>
        %dma_wait3A_100 = arith.constant 0 : i32
        %dma_wait3A_101 = arith.constant 0 : i32
        %dma_wait3A_102 = tpu.memref_slice %arg11[%dma_wait3A_100, %dma_wait3A_101] : memref<10240x128xf32, #tpu.memory_space<vmem_shared>> -> memref<10240x128xf32, #tpu.memory_space<vmem_shared>>
        tpu.wait_indirect_dma semaphore(%run_scoped3A : memref<!tpu.dma_semaphore, #tpu.memory_space<semaphore_mem>>) src(%arg9 : memref<128x128xf32, #tpu.memory_space<vmem>>) dst(%dma_wait3A_102 : memref<10240x128xf32, #tpu.memory_space<vmem_shared>>)
        tpu.yield
      }) : () -> ()
      %add3A_71 = arith.constant 2 : i32
      %add3A_72 = arith.addi %mul3A_56, %add3A_71 : i32
      %min3A = arith.constant 39 : i32
      %min3A_73 = arith.minsi %add3A_72, %min3A : i32
      %dma_start3A_74 = arith.constant 0 : i32
      %dma_start3A_75 = tpu.memref_slice %arg7[%min3A_73, %dma_start3A_74] : memref<40x128xi32, #tpu.memory_space<vmem>> -> memref<1x128xi32, #tpu.memory_space<vmem>>
      %dma_start3A_76 = tpu.memref_squeeze %dma_start3A_75 : memref<1x128xi32, #tpu.memory_space<vmem>> -> memref<128xi32, #tpu.memory_space<vmem>>
      %dma_start3A_77 = arith.constant 0 : i32
      %dma_start3A_78 = arith.constant 0 : i32
      %dma_start3A_79 = tpu.memref_slice %arg2[%dma_start3A_77, %dma_start3A_78] : memref<10240x128xf32, #tpu.memory_space<hbm>> -> memref<10240x128xf32, #tpu.memory_space<hbm>>
      tpu.enqueue_indirect_dma source(%dma_start3A_79 : memref<10240x128xf32, #tpu.memory_space<hbm>>) target(%arg9 : memref<128x128xf32, #tpu.memory_space<vmem>>) offsets(%dma_start3A_76 : memref<128xi32, #tpu.memory_space<vmem>>) semaphore(%arg12 : memref<!tpu.dma_semaphore, #tpu.memory_space<semaphore_mem>>)
      %add3A_80 = arith.constant 1 : i32
      %add3A_81 = arith.addi %mul3A_56, %add3A_80 : i32
      %dma_wait3A_82 = arith.constant 0 : i32
      %dma_wait3A_83 = tpu.memref_slice %arg7[%add3A_81, %dma_wait3A_82] : memref<40x128xi32, #tpu.memory_space<vmem>> -> memref<1x128xi32, #tpu.memory_space<vmem>>
      %dma_wait3A_84 = tpu.memref_squeeze %dma_wait3A_83 : memref<1x128xi32, #tpu.memory_space<vmem>> -> memref<128xi32, #tpu.memory_space<vmem>>
      %dma_wait3A_85 = arith.constant 0 : i32
      %dma_wait3A_86 = arith.constant 0 : i32
      %dma_wait3A_87 = tpu.memref_slice %arg2[%dma_wait3A_85, %dma_wait3A_86] : memref<10240x128xf32, #tpu.memory_space<hbm>> -> memref<10240x128xf32, #tpu.memory_space<hbm>>
      tpu.wait_indirect_dma semaphore(%arg13 : memref<!tpu.dma_semaphore, #tpu.memory_space<semaphore_mem>>) src(%dma_wait3A_87 : memref<10240x128xf32, #tpu.memory_space<hbm>>) dst(%arg10 : memref<128x128xf32, #tpu.memory_space<vmem>>)
      %add3A_88 = arith.constant 1 : i32
      %add3A_89 = arith.addi %mul3A_56, %add3A_88 : i32
      "tpu.region"() ({
        %run_scoped3A = tpu.sem_alloc : memref<!tpu.dma_semaphore, #tpu.memory_space<semaphore_mem>>
        %dma_start3A_91 = arith.constant 0 : i32
        %dma_start3A_92 = tpu.memref_slice %arg8[%add3A_89, %dma_start3A_91] : memref<40x128xi32, #tpu.memory_space<vmem>> -> memref<1x128xi32, #tpu.memory_space<vmem>>
        %dma_start3A_93 = tpu.memref_squeeze %dma_start3A_92 : memref<1x128xi32, #tpu.memory_space<vmem>> -> memref<128xi32, #tpu.memory_space<vmem>>
        %dma_start3A_94 = arith.constant 0 : i32
        %dma_start3A_95 = arith.constant 0 : i32
        %dma_start3A_96 = tpu.memref_slice %arg11[%dma_start3A_94, %dma_start3A_95] : memref<10240x128xf32, #tpu.memory_space<vmem_shared>> -> memref<10240x128xf32, #tpu.memory_space<vmem_shared>>
        tpu.enqueue_indirect_dma source(%arg10 : memref<128x128xf32, #tpu.memory_space<vmem>>) target(%dma_start3A_96 : memref<10240x128xf32, #tpu.memory_space<vmem_shared>>) offsets(%dma_start3A_93 : memref<128xi32, #tpu.memory_space<vmem>>) semaphore(%run_scoped3A : memref<!tpu.dma_semaphore, #tpu.memory_space<semaphore_mem>>) {add = true}
        %dma_wait3A_97 = arith.constant 0 : i32
        %dma_wait3A_98 = tpu.memref_slice %arg8[%add3A_89, %dma_wait3A_97] : memref<40x128xi32, #tpu.memory_space<vmem>> -> memref<1x128xi32, #tpu.memory_space<vmem>>
        %dma_wait3A_99 = tpu.memref_squeeze %dma_wait3A_98 : memref<1x128xi32, #tpu.memory_space<vmem>> -> memref<128xi32, #tpu.memory_space<vmem>>
        %dma_wait3A_100 = arith.constant 0 : i32
        %dma_wait3A_101 = arith.constant 0 : i32
        %dma_wait3A_102 = tpu.memref_slice %arg11[%dma_wait3A_100, %dma_wait3A_101] : memref<10240x128xf32, #tpu.memory_space<vmem_shared>> -> memref<10240x128xf32, #tpu.memory_space<vmem_shared>>
        tpu.wait_indirect_dma semaphore(%run_scoped3A : memref<!tpu.dma_semaphore, #tpu.memory_space<semaphore_mem>>) src(%arg10 : memref<128x128xf32, #tpu.memory_space<vmem>>) dst(%dma_wait3A_102 : memref<10240x128xf32, #tpu.memory_space<vmem_shared>>)
        tpu.yield
      }) : () -> ()
      %scan3A_90 = arith.constant 0 : i32
      scf.yield %scan3A_90 : i32
    }
    %scan3A_20 = arith.constant 20 : i32
    %dma_wait3A = arith.constant 39 : i32
    %dma_wait3A_21 = arith.constant 0 : i32
    %dma_wait3A_22 = tpu.memref_slice %arg7[%dma_wait3A, %dma_wait3A_21] : memref<40x128xi32, #tpu.memory_space<vmem>> -> memref<1x128xi32, #tpu.memory_space<vmem>>
    %dma_wait3A_23 = tpu.memref_squeeze %dma_wait3A_22 : memref<1x128xi32, #tpu.memory_space<vmem>> -> memref<128xi32, #tpu.memory_space<vmem>>
    %dma_wait3A_24 = arith.constant 0 : i32
    %dma_wait3A_25 = arith.constant 0 : i32
    %dma_wait3A_26 = tpu.memref_slice %arg2[%dma_wait3A_24, %dma_wait3A_25] : memref<10240x128xf32, #tpu.memory_space<hbm>> -> memref<10240x128xf32, #tpu.memory_space<hbm>>
    tpu.wait_indirect_dma semaphore(%arg12 : memref<!tpu.dma_semaphore, #tpu.memory_space<semaphore_mem>>) src(%dma_wait3A_26 : memref<10240x128xf32, #tpu.memory_space<hbm>>) dst(%arg9 : memref<128x128xf32, #tpu.memory_space<vmem>>)
    %add3A_27 = arith.constant 40 : i32
    %add3A_28 = arith.addi %mul3A_4, %add3A_27 : i32
    "tpu.region"() ({
      %run_scoped3A = tpu.sem_alloc : memref<!tpu.dma_semaphore, #tpu.memory_space<semaphore_mem>>
      %dma_start3A_53 = arith.constant 0 : i32
      %dma_start3A_54 = tpu.memref_slice %arg3[%add3A_28, %dma_start3A_53] : memref<2560x128xi32, #tpu.memory_space<hbm>> -> memref<40x128xi32, #tpu.memory_space<hbm>>
      %dma_start3A_55 = arith.constant 0 : i32
      %dma_start3A_56 = tpu.memref_slice %arg3[%add3A_28, %dma_start3A_55] : memref<2560x128xi32, #tpu.memory_space<hbm>> -> memref<40x128xi32, #tpu.memory_space<hbm>>
      tpu.enqueue_dma source(%dma_start3A_56 : memref<40x128xi32, #tpu.memory_space<hbm>>) target(%arg7 : memref<40x128xi32, #tpu.memory_space<vmem>>) target_semaphore(%run_scoped3A : memref<!tpu.dma_semaphore, #tpu.memory_space<semaphore_mem>>)
      %dma_wait3A_57 = arith.constant 0 : i32
      %dma_wait3A_58 = tpu.memref_slice %arg3[%add3A_28, %dma_wait3A_57] : memref<2560x128xi32, #tpu.memory_space<hbm>> -> memref<40x128xi32, #tpu.memory_space<hbm>>
      %dma_wait3A_59 = arith.constant 0 : i32
      %dma_wait3A_60 = tpu.memref_slice %arg3[%add3A_28, %dma_wait3A_59] : memref<2560x128xi32, #tpu.memory_space<hbm>> -> memref<40x128xi32, #tpu.memory_space<hbm>>
      tpu.wait_dma2 semaphore(%run_scoped3A : memref<!tpu.dma_semaphore, #tpu.memory_space<semaphore_mem>>) src(%dma_wait3A_60 : memref<40x128xi32, #tpu.memory_space<hbm>>) dst(%arg7 : memref<40x128xi32, #tpu.memory_space<vmem>>)
      tpu.yield
    }) : () -> ()
    %add3A_29 = arith.constant 40 : i32
    %add3A_30 = arith.addi %mul3A_4, %add3A_29 : i32
    "tpu.region"() ({
      %run_scoped3A = tpu.sem_alloc : memref<!tpu.dma_semaphore, #tpu.memory_space<semaphore_mem>>
      %dma_start3A_53 = arith.constant 0 : i32
      %dma_start3A_54 = tpu.memref_slice %arg4[%add3A_30, %dma_start3A_53] : memref<2560x128xi32, #tpu.memory_space<hbm>> -> memref<40x128xi32, #tpu.memory_space<hbm>>
      %dma_start3A_55 = arith.constant 0 : i32
      %dma_start3A_56 = tpu.memref_slice %arg4[%add3A_30, %dma_start3A_55] : memref<2560x128xi32, #tpu.memory_space<hbm>> -> memref<40x128xi32, #tpu.memory_space<hbm>>
      tpu.enqueue_dma source(%dma_start3A_56 : memref<40x128xi32, #tpu.memory_space<hbm>>) target(%arg8 : memref<40x128xi32, #tpu.memory_space<vmem>>) target_semaphore(%run_scoped3A : memref<!tpu.dma_semaphore, #tpu.memory_space<semaphore_mem>>)
      %dma_wait3A_57 = arith.constant 0 : i32
      %dma_wait3A_58 = tpu.memref_slice %arg4[%add3A_30, %dma_wait3A_57] : memref<2560x128xi32, #tpu.memory_space<hbm>> -> memref<40x128xi32, #tpu.memory_space<hbm>>
      %dma_wait3A_59 = arith.constant 0 : i32
      %dma_wait3A_60 = tpu.memref_slice %arg4[%add3A_30, %dma_wait3A_59] : memref<2560x128xi32, #tpu.memory_space<hbm>> -> memref<40x128xi32, #tpu.memory_space<hbm>>
      tpu.wait_dma2 semaphore(%run_scoped3A : memref<!tpu.dma_semaphore, #tpu.memory_space<semaphore_mem>>) src(%dma_wait3A_60 : memref<40x128xi32, #tpu.memory_space<hbm>>) dst(%arg8 : memref<40x128xi32, #tpu.memory_space<vmem>>)
      tpu.yield
    }) : () -> ()
    %dma_start3A_31 = arith.constant 0 : i32
    %dma_start3A_32 = arith.constant 0 : i32
    %dma_start3A_33 = tpu.memref_slice %arg7[%dma_start3A_31, %dma_start3A_32] : memref<40x128xi32, #tpu.memory_space<vmem>> -> memref<1x128xi32, #tpu.memory_space<vmem>>
    %dma_start3A_34 = tpu.memref_squeeze %dma_start3A_33 : memref<1x128xi32, #tpu.memory_space<vmem>> -> memref<128xi32, #tpu.memory_space<vmem>>
    %dma_start3A_35 = arith.constant 0 : i32
    %dma_start3A_36 = arith.constant 0 : i32
    %dma_start3A_37 = tpu.memref_slice %arg2[%dma_start3A_35, %dma_start3A_36] : memref<10240x128xf32, #tpu.memory_space<hbm>> -> memref<10240x128xf32, #tpu.memory_space<hbm>>
    tpu.enqueue_indirect_dma source(%dma_start3A_37 : memref<10240x128xf32, #tpu.memory_space<hbm>>) target(%arg9 : memref<128x128xf32, #tpu.memory_space<vmem>>) offsets(%dma_start3A_34 : memref<128xi32, #tpu.memory_space<vmem>>) semaphore(%arg12 : memref<!tpu.dma_semaphore, #tpu.memory_space<semaphore_mem>>)
    %scan3A_38 = arith.constant 0 : i32
    %scan3A_39 = arith.constant 0 : i32
    %scan3A_40 = arith.constant 20 : i32
    %scan3A_41 = arith.addi %scan3A_39, %scan3A_40 : i32
    %scan3A_42 = arith.constant 1 : i32
    %scan3A_43 = scf.for %scan3A_53 = %scan3A_39 to %scan3A_41 step %scan3A_42 iter_args(%scan3A_54 = %scan3A_38) -> (i32)  : i32 {
      %mul3A_55 = arith.constant 2 : i32
      %mul3A_56 = arith.muli %mul3A_55, %scan3A_53 : i32
      %add3A_57 = arith.constant 1 : i32
      %add3A_58 = arith.addi %mul3A_56, %add3A_57 : i32
      %dma_start3A_59 = arith.constant 0 : i32
      %dma_start3A_60 = tpu.memref_slice %arg7[%add3A_58, %dma_start3A_59] : memref<40x128xi32, #tpu.memory_space<vmem>> -> memref<1x128xi32, #tpu.memory_space<vmem>>
      %dma_start3A_61 = tpu.memref_squeeze %dma_start3A_60 : memref<1x128xi32, #tpu.memory_space<vmem>> -> memref<128xi32, #tpu.memory_space<vmem>>
      %dma_start3A_62 = arith.constant 0 : i32
      %dma_start3A_63 = arith.constant 0 : i32
      %dma_start3A_64 = tpu.memref_slice %arg2[%dma_start3A_62, %dma_start3A_63] : memref<10240x128xf32, #tpu.memory_space<hbm>> -> memref<10240x128xf32, #tpu.memory_space<hbm>>
      tpu.enqueue_indirect_dma source(%dma_start3A_64 : memref<10240x128xf32, #tpu.memory_space<hbm>>) target(%arg10 : memref<128x128xf32, #tpu.memory_space<vmem>>) offsets(%dma_start3A_61 : memref<128xi32, #tpu.memory_space<vmem>>) semaphore(%arg13 : memref<!tpu.dma_semaphore, #tpu.memory_space<semaphore_mem>>)
      %dma_wait3A_65 = arith.constant 0 : i32
      %dma_wait3A_66 = tpu.memref_slice %arg7[%mul3A_56, %dma_wait3A_65] : memref<40x128xi32, #tpu.memory_space<vmem>> -> memref<1x128xi32, #tpu.memory_space<vmem>>
      %dma_wait3A_67 = tpu.memref_squeeze %dma_wait3A_66 : memref<1x128xi32, #tpu.memory_space<vmem>> -> memref<128xi32, #tpu.memory_space<vmem>>
      %dma_wait3A_68 = arith.constant 0 : i32
      %dma_wait3A_69 = arith.constant 0 : i32
      %dma_wait3A_70 = tpu.memref_slice %arg2[%dma_wait3A_68, %dma_wait3A_69] : memref<10240x128xf32, #tpu.memory_space<hbm>> -> memref<10240x128xf32, #tpu.memory_space<hbm>>
      tpu.wait_indirect_dma semaphore(%arg12 : memref<!tpu.dma_semaphore, #tpu.memory_space<semaphore_mem>>) src(%dma_wait3A_70 : memref<10240x128xf32, #tpu.memory_space<hbm>>) dst(%arg9 : memref<128x128xf32, #tpu.memory_space<vmem>>)
      "tpu.region"() ({
        %run_scoped3A = tpu.sem_alloc : memref<!tpu.dma_semaphore, #tpu.memory_space<semaphore_mem>>
        %dma_start3A_91 = arith.constant 0 : i32
        %dma_start3A_92 = tpu.memref_slice %arg8[%mul3A_56, %dma_start3A_91] : memref<40x128xi32, #tpu.memory_space<vmem>> -> memref<1x128xi32, #tpu.memory_space<vmem>>
        %dma_start3A_93 = tpu.memref_squeeze %dma_start3A_92 : memref<1x128xi32, #tpu.memory_space<vmem>> -> memref<128xi32, #tpu.memory_space<vmem>>
        %dma_start3A_94 = arith.constant 0 : i32
        %dma_start3A_95 = arith.constant 0 : i32
        %dma_start3A_96 = tpu.memref_slice %arg11[%dma_start3A_94, %dma_start3A_95] : memref<10240x128xf32, #tpu.memory_space<vmem_shared>> -> memref<10240x128xf32, #tpu.memory_space<vmem_shared>>
        tpu.enqueue_indirect_dma source(%arg9 : memref<128x128xf32, #tpu.memory_space<vmem>>) target(%dma_start3A_96 : memref<10240x128xf32, #tpu.memory_space<vmem_shared>>) offsets(%dma_start3A_93 : memref<128xi32, #tpu.memory_space<vmem>>) semaphore(%run_scoped3A : memref<!tpu.dma_semaphore, #tpu.memory_space<semaphore_mem>>) {add = true}
        %dma_wait3A_97 = arith.constant 0 : i32
        %dma_wait3A_98 = tpu.memref_slice %arg8[%mul3A_56, %dma_wait3A_97] : memref<40x128xi32, #tpu.memory_space<vmem>> -> memref<1x128xi32, #tpu.memory_space<vmem>>
        %dma_wait3A_99 = tpu.memref_squeeze %dma_wait3A_98 : memref<1x128xi32, #tpu.memory_space<vmem>> -> memref<128xi32, #tpu.memory_space<vmem>>
        %dma_wait3A_100 = arith.constant 0 : i32
        %dma_wait3A_101 = arith.constant 0 : i32
        %dma_wait3A_102 = tpu.memref_slice %arg11[%dma_wait3A_100, %dma_wait3A_101] : memref<10240x128xf32, #tpu.memory_space<vmem_shared>> -> memref<10240x128xf32, #tpu.memory_space<vmem_shared>>
        tpu.wait_indirect_dma semaphore(%run_scoped3A : memref<!tpu.dma_semaphore, #tpu.memory_space<semaphore_mem>>) src(%arg9 : memref<128x128xf32, #tpu.memory_space<vmem>>) dst(%dma_wait3A_102 : memref<10240x128xf32, #tpu.memory_space<vmem_shared>>)
        tpu.yield
      }) : () -> ()
      %add3A_71 = arith.constant 2 : i32
      %add3A_72 = arith.addi %mul3A_56, %add3A_71 : i32
      %min3A = arith.constant 39 : i32
      %min3A_73 = arith.minsi %add3A_72, %min3A : i32
      %dma_start3A_74 = arith.constant 0 : i32
      %dma_start3A_75 = tpu.memref_slice %arg7[%min3A_73, %dma_start3A_74] : memref<40x128xi32, #tpu.memory_space<vmem>> -> memref<1x128xi32, #tpu.memory_space<vmem>>
      %dma_start3A_76 = tpu.memref_squeeze %dma_start3A_75 : memref<1x128xi32, #tpu.memory_space<vmem>> -> memref<128xi32, #tpu.memory_space<vmem>>
      %dma_start3A_77 = arith.constant 0 : i32
      %dma_start3A_78 = arith.constant 0 : i32
      %dma_start3A_79 = tpu.memref_slice %arg2[%dma_start3A_77, %dma_start3A_78] : memref<10240x128xf32, #tpu.memory_space<hbm>> -> memref<10240x128xf32, #tpu.memory_space<hbm>>
      tpu.enqueue_indirect_dma source(%dma_start3A_79 : memref<10240x128xf32, #tpu.memory_space<hbm>>) target(%arg9 : memref<128x128xf32, #tpu.memory_space<vmem>>) offsets(%dma_start3A_76 : memref<128xi32, #tpu.memory_space<vmem>>) semaphore(%arg12 : memref<!tpu.dma_semaphore, #tpu.memory_space<semaphore_mem>>)
      %add3A_80 = arith.constant 1 : i32
      %add3A_81 = arith.addi %mul3A_56, %add3A_80 : i32
      %dma_wait3A_82 = arith.constant 0 : i32
      %dma_wait3A_83 = tpu.memref_slice %arg7[%add3A_81, %dma_wait3A_82] : memref<40x128xi32, #tpu.memory_space<vmem>> -> memref<1x128xi32, #tpu.memory_space<vmem>>
      %dma_wait3A_84 = tpu.memref_squeeze %dma_wait3A_83 : memref<1x128xi32, #tpu.memory_space<vmem>> -> memref<128xi32, #tpu.memory_space<vmem>>
      %dma_wait3A_85 = arith.constant 0 : i32
      %dma_wait3A_86 = arith.constant 0 : i32
      %dma_wait3A_87 = tpu.memref_slice %arg2[%dma_wait3A_85, %dma_wait3A_86] : memref<10240x128xf32, #tpu.memory_space<hbm>> -> memref<10240x128xf32, #tpu.memory_space<hbm>>
      tpu.wait_indirect_dma semaphore(%arg13 : memref<!tpu.dma_semaphore, #tpu.memory_space<semaphore_mem>>) src(%dma_wait3A_87 : memref<10240x128xf32, #tpu.memory_space<hbm>>) dst(%arg10 : memref<128x128xf32, #tpu.memory_space<vmem>>)
      %add3A_88 = arith.constant 1 : i32
      %add3A_89 = arith.addi %mul3A_56, %add3A_88 : i32
      "tpu.region"() ({
        %run_scoped3A = tpu.sem_alloc : memref<!tpu.dma_semaphore, #tpu.memory_space<semaphore_mem>>
        %dma_start3A_91 = arith.constant 0 : i32
        %dma_start3A_92 = tpu.memref_slice %arg8[%add3A_89, %dma_start3A_91] : memref<40x128xi32, #tpu.memory_space<vmem>> -> memref<1x128xi32, #tpu.memory_space<vmem>>
        %dma_start3A_93 = tpu.memref_squeeze %dma_start3A_92 : memref<1x128xi32, #tpu.memory_space<vmem>> -> memref<128xi32, #tpu.memory_space<vmem>>
        %dma_start3A_94 = arith.constant 0 : i32
        %dma_start3A_95 = arith.constant 0 : i32
        %dma_start3A_96 = tpu.memref_slice %arg11[%dma_start3A_94, %dma_start3A_95] : memref<10240x128xf32, #tpu.memory_space<vmem_shared>> -> memref<10240x128xf32, #tpu.memory_space<vmem_shared>>
        tpu.enqueue_indirect_dma source(%arg10 : memref<128x128xf32, #tpu.memory_space<vmem>>) target(%dma_start3A_96 : memref<10240x128xf32, #tpu.memory_space<vmem_shared>>) offsets(%dma_start3A_93 : memref<128xi32, #tpu.memory_space<vmem>>) semaphore(%run_scoped3A : memref<!tpu.dma_semaphore, #tpu.memory_space<semaphore_mem>>) {add = true}
        %dma_wait3A_97 = arith.constant 0 : i32
        %dma_wait3A_98 = tpu.memref_slice %arg8[%add3A_89, %dma_wait3A_97] : memref<40x128xi32, #tpu.memory_space<vmem>> -> memref<1x128xi32, #tpu.memory_space<vmem>>
        %dma_wait3A_99 = tpu.memref_squeeze %dma_wait3A_98 : memref<1x128xi32, #tpu.memory_space<vmem>> -> memref<128xi32, #tpu.memory_space<vmem>>
        %dma_wait3A_100 = arith.constant 0 : i32
        %dma_wait3A_101 = arith.constant 0 : i32
        %dma_wait3A_102 = tpu.memref_slice %arg11[%dma_wait3A_100, %dma_wait3A_101] : memref<10240x128xf32, #tpu.memory_space<vmem_shared>> -> memref<10240x128xf32, #tpu.memory_space<vmem_shared>>
        tpu.wait_indirect_dma semaphore(%run_scoped3A : memref<!tpu.dma_semaphore, #tpu.memory_space<semaphore_mem>>) src(%arg10 : memref<128x128xf32, #tpu.memory_space<vmem>>) dst(%dma_wait3A_102 : memref<10240x128xf32, #tpu.memory_space<vmem_shared>>)
        tpu.yield
      }) : () -> ()
      %scan3A_90 = arith.constant 0 : i32
      scf.yield %scan3A_90 : i32
    }
    %scan3A_44 = arith.constant 20 : i32
    %dma_wait3A_45 = arith.constant 39 : i32
    %dma_wait3A_46 = arith.constant 0 : i32
    %dma_wait3A_47 = tpu.memref_slice %arg7[%dma_wait3A_45, %dma_wait3A_46] : memref<40x128xi32, #tpu.memory_space<vmem>> -> memref<1x128xi32, #tpu.memory_space<vmem>>
    %dma_wait3A_48 = tpu.memref_squeeze %dma_wait3A_47 : memref<1x128xi32, #tpu.memory_space<vmem>> -> memref<128xi32, #tpu.memory_space<vmem>>
    %dma_wait3A_49 = arith.constant 0 : i32
    %dma_wait3A_50 = arith.constant 0 : i32
    %dma_wait3A_51 = tpu.memref_slice %arg2[%dma_wait3A_49, %dma_wait3A_50] : memref<10240x128xf32, #tpu.memory_space<hbm>> -> memref<10240x128xf32, #tpu.memory_space<hbm>>
    tpu.wait_indirect_dma semaphore(%arg12 : memref<!tpu.dma_semaphore, #tpu.memory_space<semaphore_mem>>) src(%dma_wait3A_51 : memref<10240x128xf32, #tpu.memory_space<hbm>>) dst(%arg9 : memref<128x128xf32, #tpu.memory_space<vmem>>)
    %barrier3A_52 = arith.constant 0 : index
    tpu.barrier barrier_id(%barrier3A_52)
    "tpu.region"() ({
      %run_scoped3A = tpu.sem_alloc : memref<!tpu.dma_semaphore, #tpu.memory_space<semaphore_mem>>
      %dma_start3A_53 = arith.constant 0 : i32
      %dma_start3A_54 = tpu.memref_slice %arg6[%arg0, %mul3A_0, %dma_start3A_53] : memref<2x10240x128xf32, #tpu.memory_space<hbm>> -> memref<1x640x128xf32, #tpu.memory_space<hbm>>
      %dma_start3A_55 = tpu.memref_squeeze %dma_start3A_54 : memref<1x640x128xf32, #tpu.memory_space<hbm>> -> memref<640x128xf32, #tpu.memory_space<hbm>>
      %dma_start3A_56 = arith.constant 0 : i32
      %dma_start3A_57 = tpu.memref_slice %arg11[%mul3A_0, %dma_start3A_56] : memref<10240x128xf32, #tpu.memory_space<vmem_shared>> -> memref<640x128xf32, #tpu.memory_space<vmem_shared>>
      tpu.enqueue_dma source(%dma_start3A_57 : memref<640x128xf32, #tpu.memory_space<vmem_shared>>) target(%dma_start3A_55 : memref<640x128xf32, #tpu.memory_space<hbm>>) target_semaphore(%run_scoped3A : memref<!tpu.dma_semaphore, #tpu.memory_space<semaphore_mem>>)
      %dma_wait3A_58 = arith.constant 0 : i32
      %dma_wait3A_59 = tpu.memref_slice %arg6[%arg0, %mul3A_0, %dma_wait3A_58] : memref<2x10240x128xf32, #tpu.memory_space<hbm>> -> memref<1x640x128xf32, #tpu.memory_space<hbm>>
      %dma_wait3A_60 = tpu.memref_squeeze %dma_wait3A_59 : memref<1x640x128xf32, #tpu.memory_space<hbm>> -> memref<640x128xf32, #tpu.memory_space<hbm>>
      %dma_wait3A_61 = arith.constant 0 : i32
      %dma_wait3A_62 = tpu.memref_slice %arg11[%mul3A_0, %dma_wait3A_61] : memref<10240x128xf32, #tpu.memory_space<vmem_shared>> -> memref<640x128xf32, #tpu.memory_space<vmem_shared>>
      tpu.wait_dma2 semaphore(%run_scoped3A : memref<!tpu.dma_semaphore, #tpu.memory_space<semaphore_mem>>) src(%dma_wait3A_62 : memref<640x128xf32, #tpu.memory_space<vmem_shared>>) dst(%dma_wait3A_60 : memref<640x128xf32, #tpu.memory_space<hbm>>)
      tpu.yield
    }) : () -> ()
    return
  }
}

module attributes {stable_mosaic.version = 14 : i64} {
  func.func @_t1_body(%arg0: i32, %arg1: memref<1024x128xf32, #tpu.memory_space<vmem>>, %arg2: memref<128x128xf32, #tpu.memory_space<vmem>>, %arg3: memref<2x1024x128xf32, #tpu.memory_space<vmem>>, %arg4: memref<1024x128xf32, #tpu.memory_space<vmem>>) attributes {dimension_semantics = [#tpu.dimension_semantics<arbitrary>], iteration_bounds = array<i64: 10>, scalar_prefetch = 0 : i64, scratch_operands = 0 : i64, tpu.core_type = #tpu.core_type<tc>, window_params = [{transform_indices = @transform_0, window_bounds = array<i64: 1024, 128>}, {pipeline_mode = #tpu.pipeline_mode<synchronous>, transform_indices = @transform_1, window_bounds = array<i64: 128, 128>}, {transform_indices = @transform_2, window_bounds = array<i64: 2, 1024, 128>}, {transform_indices = @transform_3, window_bounds = array<i64: 1024, 128>}]} {
    %get3A = arith.constant 0 : index
    %get3A_0 = arith.constant 0 : index
    %get3A_1 = arith.constant 0 : index
    %get3A_2 = vector.load %arg3[%get3A, %get3A_0, %get3A_1] : memref<2x1024x128xf32, #tpu.memory_space<vmem>>, vector<1x1024x1xf32>
    %get3A_3 = vector.shape_cast %get3A_2 : vector<1x1024x1xf32> to vector<1024xf32>
    %get3A_4 = arith.constant 1 : index
    %get3A_5 = arith.constant 0 : index
    %get3A_6 = arith.constant 0 : index
    %get3A_7 = vector.load %arg3[%get3A_4, %get3A_5, %get3A_6] : memref<2x1024x128xf32, #tpu.memory_space<vmem>>, vector<1x1024x1xf32>
    %get3A_8 = vector.shape_cast %get3A_7 : vector<1x1024x1xf32> to vector<1024xf32>
    %add3A = arith.addf %get3A_3, %get3A_8 : vector<1024xf32>
    %add3A_9 = arith.constant 1.000000e+00 : f32
    %add3A_10 = vector.broadcast %add3A_9 : f32 to vector<1024xf32>
    %add3A_11 = arith.addf %add3A, %add3A_10 : vector<1024xf32>
    %sqrt3A = math.sqrt %add3A_11 : vector<1024xf32>
    %div3A = arith.constant 1.000000e+00 : f32
    %div3A_12 = vector.broadcast %div3A : f32 to vector<1024xf32>
    %div3A_13 = arith.divf %div3A_12, %sqrt3A : vector<1024xf32>
    %broadcast_in_dim3A = vector.shape_cast %div3A_13 : vector<1024xf32> to vector<1024x1xf32>
    %get3A_14 = arith.constant 0 : index
    %get3A_15 = arith.constant 0 : index
    %get3A_16 = vector.load %arg1[%get3A_14, %get3A_15] : memref<1024x128xf32, #tpu.memory_space<vmem>>, vector<1024x128xf32>
    %get3A_17 = arith.constant 0 : index
    %get3A_18 = arith.constant 0 : index
    %get3A_19 = vector.load %arg2[%get3A_17, %get3A_18] : memref<128x128xf32, #tpu.memory_space<vmem>>, vector<128x128xf32>
    %dot_general3A = arith.constant dense<0.000000e+00> : vector<1024x128xf32>
    %dot_general3A_20 = tpu.matmul %get3A_16, %get3A_19, %dot_general3A {dimension_numbers = #tpu.dot_dimension_numbers<[1], [0], [0], [1], [0, 0, 1, 1], [], []>, transpose_lhs_hint = false} : vector<1024x128xf32>, vector<128x128xf32>, vector<1024x128xf32> -> vector<1024x128xf32>
    %mul3A = vector.broadcast %broadcast_in_dim3A : vector<1024x1xf32> to vector<1024x128xf32>
    %mul3A_21 = arith.mulf %mul3A, %dot_general3A_20 : vector<1024x128xf32>
    %swap3A = arith.constant 0 : index
    %swap3A_22 = arith.constant 0 : index
    %swap3A_23 = vector.load %arg4[%swap3A, %swap3A_22] : memref<1024x128xf32, #tpu.memory_space<vmem>>, vector<1024x128xf32>
    tpu.vector_store %arg4[%swap3A, %swap3A_22], %mul3A_21 {strides = array<i32>} : memref<1024x128xf32, #tpu.memory_space<vmem>>, vector<1024x128xf32>,
    return
  }
  func.func @transform_0(%arg0: i32) -> (i32, i32) {
    %c0_i32 = arith.constant 0 : i32
    %c0_i32_0 = arith.constant 0 : i32
    return %arg0, %c0_i32 : i32, i32
  }
  func.func @transform_1(%arg0: i32) -> (i32, i32) {
    %c0_i32 = arith.constant 0 : i32
    %c0_i32_0 = arith.constant 0 : i32
    %c0_i32_1 = arith.constant 0 : i32
    return %c0_i32, %c0_i32_0 : i32, i32
  }
  func.func @transform_2(%arg0: i32) -> (i32, i32, i32) {
    %c0_i32 = arith.constant 0 : i32
    %c0_i32_0 = arith.constant 0 : i32
    %c0_i32_1 = arith.constant 0 : i32
    return %c0_i32, %arg0, %c0_i32_0 : i32, i32, i32
  }
  func.func @transform_3(%arg0: i32) -> (i32, i32) {
    %c0_i32 = arith.constant 0 : i32
    %c0_i32_0 = arith.constant 0 : i32
    return %arg0, %c0_i32 : i32, i32
  }
}

module attributes {stable_mosaic.version = 14 : i64} {
  func.func @_t2_body(%arg0: i32, %arg1: memref<2x1024x128xf32, #tpu.memory_space<vmem>>, %arg2: memref<1024x128xf32, #tpu.memory_space<vmem>>, %arg3: memref<2x1024x128xf32, #tpu.memory_space<vmem>>, %arg4: memref<1x128xf32, #tpu.memory_space<vmem>>, %arg5: memref<128x128xf32, #tpu.memory_space<vmem>>, %arg6: memref<1024x128xf32, #tpu.memory_space<vmem>>) attributes {dimension_semantics = [#tpu.dimension_semantics<arbitrary>], iteration_bounds = array<i64: 10>, scalar_prefetch = 0 : i64, scratch_operands = 0 : i64, tpu.core_type = #tpu.core_type<tc>, window_params = [{transform_indices = @transform_0, window_bounds = array<i64: 2, 1024, 128>}, {transform_indices = @transform_1, window_bounds = array<i64: 1024, 128>}, {transform_indices = @transform_2, window_bounds = array<i64: 2, 1024, 128>}, {pipeline_mode = #tpu.pipeline_mode<synchronous>, transform_indices = @transform_3, window_bounds = array<i64: 1, 128>}, {pipeline_mode = #tpu.pipeline_mode<synchronous>, transform_indices = @transform_4, window_bounds = array<i64: 128, 128>}, {transform_indices = @transform_5, window_bounds = array<i64: 1024, 128>}]} {
    %get3A = arith.constant 0 : index
    %get3A_0 = arith.constant 0 : index
    %get3A_1 = arith.constant 0 : index
    %get3A_2 = vector.load %arg3[%get3A, %get3A_0, %get3A_1] : memref<2x1024x128xf32, #tpu.memory_space<vmem>>, vector<1x1024x1xf32>
    %get3A_3 = vector.shape_cast %get3A_2 : vector<1x1024x1xf32> to vector<1024xf32>
    %get3A_4 = arith.constant 1 : index
    %get3A_5 = arith.constant 0 : index
    %get3A_6 = arith.constant 0 : index
    %get3A_7 = vector.load %arg3[%get3A_4, %get3A_5, %get3A_6] : memref<2x1024x128xf32, #tpu.memory_space<vmem>>, vector<1x1024x1xf32>
    %get3A_8 = vector.shape_cast %get3A_7 : vector<1x1024x1xf32> to vector<1024xf32>
    %add3A = arith.addf %get3A_3, %get3A_8 : vector<1024xf32>
    %add3A_9 = arith.constant 1.000000e+00 : f32
    %add3A_10 = vector.broadcast %add3A_9 : f32 to vector<1024xf32>
    %add3A_11 = arith.addf %add3A, %add3A_10 : vector<1024xf32>
    %sqrt3A = math.sqrt %add3A_11 : vector<1024xf32>
    %div3A = arith.constant 1.000000e+00 : f32
    %div3A_12 = vector.broadcast %div3A : f32 to vector<1024xf32>
    %div3A_13 = arith.divf %div3A_12, %sqrt3A : vector<1024xf32>
    %broadcast_in_dim3A = vector.shape_cast %div3A_13 : vector<1024xf32> to vector<1024x1xf32>
    %get3A_14 = arith.constant 0 : index
    %get3A_15 = arith.constant 0 : index
    %get3A_16 = arith.constant 0 : index
    %get3A_17 = vector.load %arg1[%get3A_14, %get3A_15, %get3A_16] : memref<2x1024x128xf32, #tpu.memory_space<vmem>>, vector<1x1024x128xf32>
    %get3A_18 = vector.shape_cast %get3A_17 : vector<1x1024x128xf32> to vector<1024x128xf32>
    %get3A_19 = arith.constant 1 : index
    %get3A_20 = arith.constant 0 : index
    %get3A_21 = arith.constant 0 : index
    %get3A_22 = vector.load %arg1[%get3A_19, %get3A_20, %get3A_21] : memref<2x1024x128xf32, #tpu.memory_space<vmem>>, vector<1x1024x128xf32>
    %get3A_23 = vector.shape_cast %get3A_22 : vector<1x1024x128xf32> to vector<1024x128xf32>
    %add3A_24 = arith.addf %get3A_18, %get3A_23 : vector<1024x128xf32>
    %get3A_25 = arith.constant 0 : index
    %get3A_26 = arith.constant 0 : index
    %get3A_27 = vector.load %arg2[%get3A_25, %get3A_26] : memref<1024x128xf32, #tpu.memory_space<vmem>>, vector<1024x128xf32>
    %add3A_28 = arith.addf %add3A_24, %get3A_27 : vector<1024x128xf32>
    %mul3A = vector.broadcast %broadcast_in_dim3A : vector<1024x1xf32> to vector<1024x128xf32>
    %mul3A_29 = arith.mulf %mul3A, %add3A_28 : vector<1024x128xf32>
    %get3A_30 = arith.constant 0 : index
    %get3A_31 = arith.constant 0 : index
    %get3A_32 = vector.load %arg4[%get3A_30, %get3A_31] : memref<1x128xf32, #tpu.memory_space<vmem>>, vector<1x128xf32>
    %add3A_33 = vector.broadcast %get3A_32 : vector<1x128xf32> to vector<1024x128xf32>
    %add3A_34 = arith.addf %mul3A_29, %add3A_33 : vector<1024x128xf32>
    %max3A = arith.constant 0.000000e+00 : f32
    %max3A_35 = vector.broadcast %max3A : f32 to vector<1024x128xf32>
    %max3A_36 = arith.maximumf %add3A_34, %max3A_35 : vector<1024x128xf32>
    %get3A_37 = arith.constant 0 : index
    %get3A_38 = arith.constant 0 : index
    %get3A_39 = vector.load %arg5[%get3A_37, %get3A_38] : memref<128x128xf32, #tpu.memory_space<vmem>>, vector<128x128xf32>
    %dot_general3A = arith.constant dense<0.000000e+00> : vector<1024x128xf32>
    %dot_general3A_40 = tpu.matmul %max3A_36, %get3A_39, %dot_general3A {dimension_numbers = #tpu.dot_dimension_numbers<[1], [0], [0], [1], [0, 0, 1, 1], [], []>, transpose_lhs_hint = false} : vector<1024x128xf32>, vector<128x128xf32>, vector<1024x128xf32> -> vector<1024x128xf32>
    %mul3A_41 = vector.broadcast %broadcast_in_dim3A : vector<1024x1xf32> to vector<1024x128xf32>
    %mul3A_42 = arith.mulf %mul3A_41, %dot_general3A_40 : vector<1024x128xf32>
    %swap3A = arith.constant 0 : index
    %swap3A_43 = arith.constant 0 : index
    %swap3A_44 = vector.load %arg6[%swap3A, %swap3A_43] : memref<1024x128xf32, #tpu.memory_space<vmem>>, vector<1024x128xf32>
    tpu.vector_store %arg6[%swap3A, %swap3A_43], %mul3A_42 {strides = array<i32>} : memref<1024x128xf32, #tpu.memory_space<vmem>>, vector<1024x128xf32>,
    return
  }
  func.func @transform_0(%arg0: i32) -> (i32, i32, i32) {
    %c0_i32 = arith.constant 0 : i32
    %c0_i32_0 = arith.constant 0 : i32
    %c0_i32_1 = arith.constant 0 : i32
    return %c0_i32, %arg0, %c0_i32_0 : i32, i32, i32
  }
  func.func @transform_1(%arg0: i32) -> (i32, i32) {
    %c0_i32 = arith.constant 0 : i32
    %c0_i32_0 = arith.constant 0 : i32
    return %arg0, %c0_i32 : i32, i32
  }
  func.func @transform_2(%arg0: i32) -> (i32, i32, i32) {
    %c0_i32 = arith.constant 0 : i32
    %c0_i32_0 = arith.constant 0 : i32
    %c0_i32_1 = arith.constant 0 : i32
    return %c0_i32, %arg0, %c0_i32_0 : i32, i32, i32
  }
  func.func @transform_3(%arg0: i32) -> (i32, i32) {
    %c0_i32 = arith.constant 0 : i32
    %c0_i32_0 = arith.constant 0 : i32
    %c0_i32_1 = arith.constant 0 : i32
    return %c0_i32, %c0_i32_0 : i32, i32
  }
  func.func @transform_4(%arg0: i32) -> (i32, i32) {
    %c0_i32 = arith.constant 0 : i32
    %c0_i32_0 = arith.constant 0 : i32
    %c0_i32_1 = arith.constant 0 : i32
    return %c0_i32, %c0_i32_0 : i32, i32
  }
  func.func @transform_5(%arg0: i32) -> (i32, i32) {
    %c0_i32 = arith.constant 0 : i32
    %c0_i32_0 = arith.constant 0 : i32
    return %arg0, %c0_i32 : i32, i32
  }
}

module attributes {stable_mosaic.version = 14 : i64} {
  func.func @_t3_body(%arg0: i32, %arg1: memref<2x1024x128xf32, #tpu.memory_space<vmem>>, %arg2: memref<1024x128xf32, #tpu.memory_space<vmem>>, %arg3: memref<2x1024x128xf32, #tpu.memory_space<vmem>>, %arg4: memref<1x128xf32, #tpu.memory_space<vmem>>, %arg5: memref<1024x128xf32, #tpu.memory_space<vmem>>) attributes {dimension_semantics = [#tpu.dimension_semantics<arbitrary>], iteration_bounds = array<i64: 10>, scalar_prefetch = 0 : i64, scratch_operands = 0 : i64, tpu.core_type = #tpu.core_type<tc>, window_params = [{transform_indices = @transform_0, window_bounds = array<i64: 2, 1024, 128>}, {transform_indices = @transform_1, window_bounds = array<i64: 1024, 128>}, {transform_indices = @transform_2, window_bounds = array<i64: 2, 1024, 128>}, {pipeline_mode = #tpu.pipeline_mode<synchronous>, transform_indices = @transform_3, window_bounds = array<i64: 1, 128>}, {transform_indices = @transform_4, window_bounds = array<i64: 1024, 128>}]} {
    %get3A = arith.constant 0 : index
    %get3A_0 = arith.constant 0 : index
    %get3A_1 = arith.constant 0 : index
    %get3A_2 = vector.load %arg3[%get3A, %get3A_0, %get3A_1] : memref<2x1024x128xf32, #tpu.memory_space<vmem>>, vector<1x1024x1xf32>
    %get3A_3 = vector.shape_cast %get3A_2 : vector<1x1024x1xf32> to vector<1024xf32>
    %get3A_4 = arith.constant 1 : index
    %get3A_5 = arith.constant 0 : index
    %get3A_6 = arith.constant 0 : index
    %get3A_7 = vector.load %arg3[%get3A_4, %get3A_5, %get3A_6] : memref<2x1024x128xf32, #tpu.memory_space<vmem>>, vector<1x1024x1xf32>
    %get3A_8 = vector.shape_cast %get3A_7 : vector<1x1024x1xf32> to vector<1024xf32>
    %add3A = arith.addf %get3A_3, %get3A_8 : vector<1024xf32>
    %add3A_9 = arith.constant 1.000000e+00 : f32
    %add3A_10 = vector.broadcast %add3A_9 : f32 to vector<1024xf32>
    %add3A_11 = arith.addf %add3A, %add3A_10 : vector<1024xf32>
    %sqrt3A = math.sqrt %add3A_11 : vector<1024xf32>
    %div3A = arith.constant 1.000000e+00 : f32
    %div3A_12 = vector.broadcast %div3A : f32 to vector<1024xf32>
    %div3A_13 = arith.divf %div3A_12, %sqrt3A : vector<1024xf32>
    %broadcast_in_dim3A = vector.shape_cast %div3A_13 : vector<1024xf32> to vector<1024x1xf32>
    %get3A_14 = arith.constant 0 : index
    %get3A_15 = arith.constant 0 : index
    %get3A_16 = arith.constant 0 : index
    %get3A_17 = vector.load %arg1[%get3A_14, %get3A_15, %get3A_16] : memref<2x1024x128xf32, #tpu.memory_space<vmem>>, vector<1x1024x128xf32>
    %get3A_18 = vector.shape_cast %get3A_17 : vector<1x1024x128xf32> to vector<1024x128xf32>
    %get3A_19 = arith.constant 1 : index
    %get3A_20 = arith.constant 0 : index
    %get3A_21 = arith.constant 0 : index
    %get3A_22 = vector.load %arg1[%get3A_19, %get3A_20, %get3A_21] : memref<2x1024x128xf32, #tpu.memory_space<vmem>>, vector<1x1024x128xf32>
    %get3A_23 = vector.shape_cast %get3A_22 : vector<1x1024x128xf32> to vector<1024x128xf32>
    %add3A_24 = arith.addf %get3A_18, %get3A_23 : vector<1024x128xf32>
    %get3A_25 = arith.constant 0 : index
    %get3A_26 = arith.constant 0 : index
    %get3A_27 = vector.load %arg2[%get3A_25, %get3A_26] : memref<1024x128xf32, #tpu.memory_space<vmem>>, vector<1024x128xf32>
    %add3A_28 = arith.addf %add3A_24, %get3A_27 : vector<1024x128xf32>
    %mul3A = vector.broadcast %broadcast_in_dim3A : vector<1024x1xf32> to vector<1024x128xf32>
    %mul3A_29 = arith.mulf %mul3A, %add3A_28 : vector<1024x128xf32>
    %get3A_30 = arith.constant 0 : index
    %get3A_31 = arith.constant 0 : index
    %get3A_32 = vector.load %arg4[%get3A_30, %get3A_31] : memref<1x128xf32, #tpu.memory_space<vmem>>, vector<1x128xf32>
    %add3A_33 = vector.broadcast %get3A_32 : vector<1x128xf32> to vector<1024x128xf32>
    %add3A_34 = arith.addf %mul3A_29, %add3A_33 : vector<1024x128xf32>
    %swap3A = arith.constant 0 : index
    %swap3A_35 = arith.constant 0 : index
    %swap3A_36 = vector.load %arg5[%swap3A, %swap3A_35] : memref<1024x128xf32, #tpu.memory_space<vmem>>, vector<1024x128xf32>
    tpu.vector_store %arg5[%swap3A, %swap3A_35], %add3A_34 {strides = array<i32>} : memref<1024x128xf32, #tpu.memory_space<vmem>>, vector<1024x128xf32>,
    return
  }
  func.func @transform_0(%arg0: i32) -> (i32, i32, i32) {
    %c0_i32 = arith.constant 0 : i32
    %c0_i32_0 = arith.constant 0 : i32
    %c0_i32_1 = arith.constant 0 : i32
    return %c0_i32, %arg0, %c0_i32_0 : i32, i32, i32
  }
  func.func @transform_1(%arg0: i32) -> (i32, i32) {
    %c0_i32 = arith.constant 0 : i32
    %c0_i32_0 = arith.constant 0 : i32
    return %arg0, %c0_i32 : i32, i32
  }
  func.func @transform_2(%arg0: i32) -> (i32, i32, i32) {
    %c0_i32 = arith.constant 0 : i32
    %c0_i32_0 = arith.constant 0 : i32
    %c0_i32_1 = arith.constant 0 : i32
    return %c0_i32, %arg0, %c0_i32_0 : i32, i32, i32
  }
  func.func @transform_3(%arg0: i32) -> (i32, i32) {
    %c0_i32 = arith.constant 0 : i32
    %c0_i32_0 = arith.constant 0 : i32
    %c0_i32_1 = arith.constant 0 : i32
    return %c0_i32, %c0_i32_0 : i32, i32
  }
  func.func @transform_4(%arg0: i32) -> (i32, i32) {
    %c0_i32 = arith.constant 0 : i32
    %c0_i32_0 = arith.constant 0 : i32
    return %arg0, %c0_i32 : i32, i32
  }
}

</mosaic_0001>

<sc_bundles>
// kernel: kernel.11.cloned.1.call-start
scs
__scs_entry_jumppad:
0x0: {  	(pc) =	sbr.rel $0x88, $3  }
0x1: {  	(tag) =	ssettag $0x0;
	lr =	simm.s32 $0x1  }
0x2: {  	[smem:$0x3F9B] =	sst lr;
	_ =	strace $0xD0000000  }
0x3: {  	_ = 	snop  }
0x4: {  	_ = 	snop  }
0x5: {  	_ = 	snop  }
0x6: {  	_ = 	snop  }
0x7: {  	_ = 	snop  }
__scs_overlays_trampoline_lowered:
0x8: {  	[smem:$0x3FAA] =	sst s0  }
0x9: {  	[smem:$0x3FAB] =	sst s1  }
0xa: {  	[smem:$0x3FAC] =	sst s2  }
0xb: {  	[smem:$0x3FAD] =	sst s3  }
0xc: {  	[smem:$0x3FAE] =	sst s4  }
0xd: {  	[smem:$0x3FAF] =	sst s5  }
0xe: {  	[smem:$0x3FB0] =	sst s6  }
0xf: {  	[smem:$0x3FB1] =	sst s7  }
0x10: {  	[smem:$0x3FB2] =	sst s8  }
0x11: {  	[smem:$0x3FB3] =	sst s9;
	s0 =	simm.s32 @!p0 $0x0  }
0x12: {  	s1 =	sld [smem:$0x3F99];
	s0 =	simm.s32 @p0 $0x1  }
0x13: {  	[smem:$0x3FB4] =	sst s0;
	s0 =	simm.s32 @!p1 $0x0  }
0x14: {  	s2 =	sld [smem:$0x3F98];
	s0 =	simm.s32 @p1 $0x1  }
0x15: {  	[smem:$0x3FB5] =	sst s0;
	s0 =	simm.s32 @!p2 $0x0  }
0x16: {  	s3 =	sld [smem:$0x3FDB];
	s0 =	simm.s32 @p2 $0x1  }
0x17: {  	s4 =	simm.s32 $0x1BF5;
	[smem:$0x3FB7] =	sst s0  }
0x18: {  	s0 =	sld [smem:$0x3F9A];
	_ =	swait.ge [sflag:s4], $0x0  }
0x19: {  	s7 =	sld [smem:$0x3F9B]  }
0x1a: {  	s8 =	sadd.s32 $0xFFFFE003, lr  }
0x1b: {  	s9 =	sadd.s32 $0xFFFFFEF7, lr;
	s5 =	simm.s32 $0xFFFFFFFF;
	p2 =	slt.u32 s8, $0xFFFFF086  }
0x1c: {  	p1 =	slt.u32 s9, $0xF7A;
	s5 =	simm.s32 @!p2 $0x0  }
0x1d: {  	s5 =	simm.s32 @p1 $0x1;
	p0 =	seq.s32 s7, s2  }
0x1e: {  	s7 =	smul.u32 @!p0 $0xF7A, s2;
	p2 =	seq.s32 @!p0 s5, $0x0  }
0x1f: {  	s9 =	smul.u32 $0xF7A, s1;
	s8 =	simm.s32 @!p0 $0x1BF5;
	p2 =	por !p2, p0  }
0x20: {  	[sflag:s8] =	ssyncset.s32 @!p0 $0xFFFFF086;
	s6 =	sadd.s32 @!p0 s3, s7;
	s7 =	simm.s32 @!p0 $0x108  }
0x21: {  	s3 =	sadd.s32 s3, s9;
	s6 =	sadd.s32 @!p0 $0x88, s6;
	s7 =	simm.s32 @p2 $0x1082  }
0x22: {  	[simem:s7], [sflag:s8] =	dma.local @!p0 [hbm:s6], $0xF7A  }
0x23: {  	s9 =	sor.u32 $0xD0000000, s2;
	s6 =	simm.s32 $0x108;
	_ =	swait.ge @!p0 [sflag:s8], $0x0  }
0x24: {  	s3 =	sadd.s32 $0x88, s3;
	s6 =	simm.s32 @!p1 $0x1082;
	[sflag:s4] =	ssyncset.s32 $0xFFFFF086  }
0x25: {  	[simem:s6], [sflag:s4] =	dma.local [hbm:s3], $0xF7A  }
0x26: {  	[smem:$0x3F9B] =	sst s1;
	(tag) =	ssettag s2;
	_ =	strace s9  }
0x27: {  	s1 =	sld [smem:$0x3FAB]  }
0x28: {  	s2 =	sld [smem:$0x3FAC]  }
0x29: {  	s4 =	sld [smem:$0x3FAE]  }
0x2a: {  	p0 =	seq.s32 s5, $0x0;
	s5 =	sld [smem:$0x3FAF]  }
0x2b: {  	s6 =	sld [smem:$0x3FB0]  }
0x2c: {  	s7 =	sld [smem:$0x3FB1]  }
0x2d: {  	s3 =	simm.s32 $0x108;
	s8 =	sld [smem:$0x3FB2]  }
0x2e: {  	s3 =	simm.s32 @!p0 $0x1082;
	s9 =	sld [smem:$0x3FB3]  }
0x2f: {  	lr =	sadd.s32 s0, s3;
	s0 =	sld [smem:$0x3FAA]  }
0x30: {  	s3 =	sld [smem:$0x3FAD]  }
0x31: {  	[smem:$0x3FB6] =	sst s10  }
0x32: {  	s10 =	sld [smem:$0x3FB4];
	_ =	sdelay $0x3  }
0x33: {  	p0 =	seq.s32 s10, $0x1;
	s10 =	sld [smem:$0x3FB6];
	_ =	sdelay $0x3  }
0x34: {  	[smem:$0x3FB6] =	sst s10  }
0x35: {  	s10 =	sld [smem:$0x3FB5];
	_ =	sdelay $0x3  }
0x36: {  	p1 =	seq.s32 s10, $0x1;
	s10 =	sld [smem:$0x3FB6];
	_ =	sdelay $0x3  }
0x37: {  	[smem:$0x3FB6] =	sst s10  }
0x38: {  	s10 =	sld [smem:$0x3FB7]  }
0x39: {  	_ = 	snop;
	(pc) =	sbr.ind lr, $3  }
0x3a: {  	_ = 	snop  }
0x3b: {  	_ = 	snop  }
0x3c: {  	p2 =	seq.s32 s10, $0x1;
	s10 =	sld [smem:$0x3FB6]  }
0x3d: {  	_ =	shalt  }
0x3e: {  	_ =	shalt  }
0x3f: {  	_ =	shalt  }
0x40: {  	_ =	shalt  }
0x41: {  	_ =	shalt  }
0x42: {  	_ =	shalt  }
0x43: {  	_ =	shalt  }
0x44: {  	_ =	shalt  }
0x45: {  	_ =	shalt  }
0x46: {  	_ =	shalt  }
0x47: {  	_ =	shalt  }
0x48: {  	_ =	shalt  }
0x49: {  	_ =	shalt  }
0x4a: {  	_ =	shalt  }
0x4b: {  	_ =	shalt  }
0x4c: {  	_ =	shalt  }
0x4d: {  	_ =	shalt  }
0x4e: {  	_ =	shalt  }
0x4f: {  	_ =	shalt  }
0x50: {  	_ =	shalt  }
0x51: {  	_ =	shalt  }
0x52: {  	_ =	shalt  }
0x53: {  	_ =	shalt  }
0x54: {  	_ =	shalt  }
0x55: {  	_ =	shalt  }
0x56: {  	_ =	shalt  }
0x57: {  	_ =	shalt  }
0x58: {  	_ =	shalt  }
0x59: {  	_ =	shalt  }
0x5a: {  	_ =	shalt  }
0x5b: {  	_ =	shalt  }
0x5c: {  	_ =	shalt  }
0x5d: {  	_ =	shalt  }
0x5e: {  	_ =	shalt  }
0x5f: {  	_ =	shalt  }
0x60: {  	_ =	shalt  }
0x61: {  	_ =	shalt  }
0x62: {  	_ =	shalt  }
0x63: {  	_ =	shalt  }
0x64: {  	_ =	shalt  }
0x65: {  	_ =	shalt  }
0x66: {  	_ =	shalt  }
0x67: {  	_ =	shalt  }
0x68: {  	_ =	shalt  }
0x69: {  	_ =	shalt  }
0x6a: {  	_ =	shalt  }
0x6b: {  	_ =	shalt  }
0x6c: {  	_ =	shalt  }
0x6d: {  	_ =	shalt  }
0x6e: {  	_ =	shalt  }
0x6f: {  	_ =	shalt  }
0x70: {  	_ =	shalt  }
0x71: {  	_ =	shalt  }
0x72: {  	_ =	shalt  }
0x73: {  	_ =	shalt  }
0x74: {  	_ =	shalt  }
0x75: {  	_ =	shalt  }
0x76: {  	_ =	shalt  }
0x77: {  	_ =	shalt  }
0x78: {  	_ =	shalt  }
0x79: {  	_ =	shalt  }
0x7a: {  	_ =	shalt  }
0x7b: {  	_ =	shalt  }
0x7c: {  	_ =	shalt  }
0x7d: {  	_ =	shalt  }
0x7e: {  	_ =	shalt  }
0x7f: {  	_ =	shalt  }
0x80: {  	_ =	shalt  }
0x81: {  	_ =	shalt  }
0x82: {  	_ =	shalt  }
0x83: {  	_ =	shalt  }
0x84: {  	_ =	shalt  }
0x85: {  	_ =	shalt  }
0x86: {  	_ =	shalt  }
0x87: {  	_ =	shalt  }
.Lfunc_end0:
.L_simem_size_0:
called_computation.1_lowered:
.L_overlay_start_0:
0x88: {  	s2 =	sld [smem:$0x3FD9]  }
0x89: {  	s3 =	sld [smem:$0x3FFE];
	_ =	sdelay $0x1  }
0x8a: {  	s1 =	srdreg.scid  }
0x8b: {  	s0 =	sand.u32 $0x1, s1  }
0x8c: {  	s17 =	sshll.u32 s0, $0xA;
	s2 =	sadd.s32 s3, s2  }
0x8d: {  	s2 =	sadd.s32 s2, s17  }
0x8e: {  	[smem:$0x3FC2] =	sst s2  }
0x8f: {  	_ = 	snop  }
0x90: {  	s2 =	sld [smem:$0x3FD0];
	(tm) =	ssettm $0x1  }
0x91: {  	s18 =	sld [smem:$0x3FFB];
	_ =	sdelay $0x3  }
0x92: {  	_ =	strace s18  }
0x93: {  	s3 =	sld [smem:$0x3FFC];
	_ =	sdelay $0x3  }
0x94: {  	_ =	strace s3  }
0x95: {  	s3 =	sld [smem:$0x3FFD];
	_ =	sdelay $0x3  }
0x96: {  	_ =	strace s3  }
0x97: {  	_ =	strace $0x8FFFFFFF  }
0x98: {  	s19 =	sld [smem:$0x3FDB];
	_ =	sdelay $0x1  }
0x99: {  	s4 =	simm.s32 $_scs_section_size  }
0x9a: {  	s5 =	simm.s32 $_size__tile_overlayer_lowered;
	s6 =	simm.s32 $_tile_overlayer_lowered  }
0x9b: {  	s22 =	simm.s32 $0x1BFF;
	s21 =	sshll.u32 s6, $0x1;
	s3 =	sadd.s32 s4, s19  }
0x9c: {  	s7 =	simm.s32 $0x0;
	s20 =	sshll.u32 s5, $0x1;
	s5 =	sadd.s32 s21, s3  }
0x9d: {  	[timem:s7], [sflag:s22] =	dma.local [hbm:s5], s20  }
0x9e: {  	_ =	swait.ge [sflag:s22], s20  }
0x9f: {  	s4 =	ssub.s32 $0x0, s20;
	[sflag:s22] =	ssyncset.done $0x0  }
0xa0: {  	[sflag:s22] =	ssyncadd.s32 s4;
	_ =	sdelay $0x1  }
0xa1: {  	s23 =	simm.s32 $0x1B8B  }
0xa2: {  	_ =	swait.ge [sflag:s23], $0x1  }
0xa3: {  	[sflag:s23] =	ssyncset.done $0x0  }
0xa4: {  	s25 =	simm.s32 $0x1B8E;
	s24 =	sld [smem:$0x3FFE];
	[sflag:s23] =	ssyncadd.s32 $0xFFFFFFFF  }
0xa5: {  	s26 =	simm.s32 $execute0_lowered;
	[smem:$0x3FD2] =	sst s25  }
0xa6: {  	s5 =	sshll.u32 s26, $0x1;
	_ =	strace $0x80000049;
	[dreg:$0x1] =	wrdreg $0xFFFFFFFF  }
0xa7: {  	s28 =	simm.s32 $_size_execute0_lowered;
	s3 =	sadd.s32 s3, s5;
	[dreg:$0x0] =	wrdreg $0x0  }
0xa8: {  	s5 =	sshll.u32 s28, $0x1;
	[dreg:$0x2] =	wrdreg s3  }
0xa9: {  	[dreg:$0x3] =	wrdreg s5  }
0xaa: {  	[dreg:$0x4] =	wrdreg $0xC0  }
0xab: {  	_ =	task [dreg:s7], $0x5FFFF  }
0xac: {  	[dreg:$0x1] =	wrdreg $0xFFFFFFFF  }
0xad: {  	[dreg:$0x0] =	wrdreg $0x60  }
0xae: {  	[dreg:$0x2] =	wrdreg s24  }
0xaf: {  	[dreg:$0x3] =	wrdreg s2  }
0xb0: {  	[dreg:$0x4] =	wrdreg $0xA8000  }
0xb1: {  	[dreg:$0x5] =	wrdreg $0x9  }
0xb2: {  	_ =	task.clear_ibuf [dreg:s7], $0x6FFFF;
	_ =	strace $0x90000049  }
0xb3: {  	s29 =	simm.s32 $0x9;
	_ =	strace $0x8000004B  }
0xb4: {  	_ =	swait.ge [sflag:s29], $0x1  }
0xb5: {  	[sflag:s29] =	ssyncadd.s32 $0xFFFFFFFF  }
0xb6: {  	_ =	strace $0x9000004B  }
0xb7: {  	_ =	sfence  }
0xb8: {  	s30 =	sld [smem:$0x0];
	_ =	sdelay $0x2  }
0xb9: {  	s31 =	sshll.u32 s1, $0xD;
	s1 =	sshrl.u32 s1, $0x2  }
0xba: {  	s3 =	sand.u32 $0x4000, s31;
	s1 =	sadd.s32 s1, s30  }
0xbb: {  	s0 =	sor.u32 s3, s0;
	s1 =	sshll.u32 s1, $0x11  }
0xbc: {  	s0 =	sor.u32 s1, s0  }
0xbd: {  	s0 =	sadd.s32 $0x8F2B, s0  }
0xbe: {  	[sflag:s0] =	ssyncadd.remote.s32 $0x1  }
0xbf: {  	_ =	sfence.sel $0xFFFF  }
0xc0: {  	[dreg:$0x0] =	wrdreg $0xFFFFFFFF;
	(pc) =	sbr.abs _section_cstart, $3  }
0xc1: {  	[dreg:$0x1] =	wrdreg $0xFFFFFFFF  }
0xc2: {  	_ =	task.clear_ibuf [dreg:s7], $0x2FFFF;
	_ =	strace $0x9FFFFFFF  }
0xc3: {  	(tm) =	ssettm $0x7FFFFFFF  }
tec
execute0_lowered:
.L_overlay_start_1:
0x0: {  	(tag) =	ssettag $0x1  }
0x1: {  	s5 =	rddreg [dreg:$0x0]  }
0x2: {  	s9 =	rddreg [dreg:$0x1]  }
0x3: {  	s2 =	rddreg [dreg:$0x2]  }
0x4: {  	s0 =	rddreg [dreg:$0x3]  }
0x5: {  	s1 =	stileid.u32;
	s3 =	simm.s32 $0x0;
	s4 =	srdreg.scid  }
0x6: {  	s17 =	simm.s32 $0x2800;
	s18 =	simm.s32 $0x6800;
	s19 =	simm.s32 $0x1  }
0x7: {  	s20 =	simm.s32 $0x2;
	s21 =	simm.s32 $0x1380;
	s22 =	simm.s32 $0x2700  }
0x8: {  	s23 =	simm.s32 $0x2780;
	s24 =	simm.s32 $0x0;
	s6 =	smul.u32 $0x14000, s1  }
0x9: {  	[smem:$0x7FF] =	sst s3;
	s7 =	sand.u32 $0x1, s4;
	s4 =	sadd.s32 $0x85200, s5  }
0xa: {  	s11 =	sadd.s32 $0x2A00, s5;
	s26 =	smul.u32 $0x50000, s1;
	s28 =	sshll.u32 s1, $0x6  }
0xb: {  	_ =	strace $0x8000004A;
	s10 =	smul.u32 $0x140000, s7;
	s12 =	sshll.u32 s7, $0x4  }
0xc: {  	s7 =	ssub.s32 $0x2, s7;
	s8 =	sshrl.u32 s6, $0x3;
	s12 =	sor.u32 s1, s12  }
0xd: {  	s13 =	sshrl.u32 s7, $0x1;
	s8 =	sadd.s32 s8, s5;
	s6 =	sadd.s32 s6, s10  }
0xe: {  	s10 =	sshrl.u32 s26, $0x2;
	s14 =	smul.u32 $0x2800, s12;
	s13 =	ssub.s32 s7, s13  }
0xf: {  	s29 =	smul.u32 $0x500, s12;
	s6 =	sshrl.u32 s6, $0x3;
	s16 =	sadd.s32 s10, s2  }
0x10: {  	s12 =	smax.u32 s13, $0x1;
	s15 =	sadd.s32 s6, s5;
	s30 =	sshrl.u32 s14, $0x3  }
0x11: {  	s5 =	sadd.s32 $0xD200, s8;
	s6 =	sor.u32 $0x1C03, s28;
	s7 =	sadd.s32 s9, s29  }
0x12: {  	s8 =	sadd.s32 s11, s29;
	s13 =	sshrl.u32 s16, $0x3;
	s31 =	sadd.s32 $0x280, s30  }
0x13: {  	s14 =	simm.s32 $0x3;
	s16 =	simm.s32 $0x80;
	s9 =	sadd.s32 s9, s31  }
0x14: {  	s10 =	sadd.s32 s11, s31;
	s11 =	sadd.s32 $0xAD200, s15;
	s15 =	simm.s32 $0x1400  }
.LBB2_1:
0x15: {  	[spmem:s13], [sflag:s6] =	dma.local [hbm:s5], $0x2800  }
0x16: {  	_ =	swait.ge [sflag:s14], $0x2800  }
0x17: {  	[sflag:s14] =	ssyncset.done $0x0  }
0x18: {  	[sflag:s14] =	ssyncadd.s32 $0xFFFFD800  }
0x19: {  	[bflag:$0x0] =	sbarrier.arrive $0xFFFF  }
0x1a: {  	[tilespmem:s3], [sflag:$0x3] =	stream.linear.gather [hbm4b:s7+s3], $0x1400, $0x38;
	[tilespmem:$0x1E800] =	vst v63  }
0x1b: {  	_ =	swait.ge [sflag:s14], $0x1400  }
0x1c: {  	[sflag:s14] =	ssyncset.done $0x0  }
0x1d: {  	[sflag:s14] =	ssyncadd.s32 $0xFFFFEC00  }
0x1e: {  	[tilespmem:s15], [sflag:$0x3] =	stream.linear.gather [hbm4b:s8+s3], $0x1400, $0x38;
	[tilespmem:$0x1E800] =	vst v63  }
0x1f: {  	_ =	swait.ge [sflag:s14], $0x1400  }
0x20: {  	[sflag:s14] =	ssyncset.done $0x0  }
0x21: {  	[sflag:s14] =	ssyncadd.s32 $0xFFFFEC00  }
0x22: {  	[tilespmem:s17], [sflag:$0x1] =	stream.indirect.gather [hbm4b:s4+s16], $0x80, s3, s16, $0xb8;
	[tilespmem:$0x1E800] =	vst v63  }
0x23: {  	s25 =	simm.s32 $0x80  }
0x24: {  	[tilespmem:s18], [sflag:$0x2] =	stream.indirect.gather [hbm4b:s4+s16], $0x80, s25, s16, $0xb8;
	[tilespmem:$0x1E800] =	vst v63  }
0x25: {  	_ =	swait.ge [sflag:s19], $0x4000  }
0x26: {  	[sflag:s19] =	ssyncset.done $0x0  }
0x27: {  	s29 =	simm.s32 $0x1400;
	[sflag:s19] =	ssyncadd.s32 $0xFFFFC000  }
0x28: {  	[spmem:s2] =	stream.indirect.scatter.add.f32 [tilespmem:s17], [sflag:$0x3], $0x80, s29, s16, $0xb8;
	[tilespmem:$0x1E800] =	vst v63  }
0x29: {  	_ =	swait.ge [sflag:s14], $0x4000  }
0x2a: {  	[sflag:s14] =	ssyncset.done $0x0  }
0x2b: {  	s30 =	simm.s32 $0x100;
	[sflag:s14] =	ssyncadd.s32 $0xFFFFC000  }
0x2c: {  	[tilespmem:s17], [sflag:$0x1] =	stream.indirect.gather [hbm4b:s4+s16], $0x80, s30, s16, $0xb8;
	[tilespmem:$0x1E800] =	vst v63  }
0x2d: {  	_ =	swait.ge [sflag:s20], $0x4000  }
0x2e: {  	[sflag:s20] =	ssyncset.done $0x0  }
0x2f: {  	s31 =	simm.s32 $0x1480;
	[sflag:s20] =	ssyncadd.s32 $0xFFFFC000  }
0x30: {  	[spmem:s2] =	stream.indirect.scatter.add.f32 [tilespmem:s18], [sflag:$0x3], $0x80, s31, s16, $0xb8;
	[tilespmem:$0x1E800] =	vst v63  }
0x31: {  	_ =	swait.ge [sflag:s14], $0x4000  }
0x32: {  	s26 =	simm.s32 $0x800;
	s25 =	simm.s32 $0x100;
	[sflag:s14] =	ssyncset.done $0x0  }
.LBB2_2:
0x33: {  	s28 =	sadd.s32 $0x80, s25  }
0x34: {  	[sflag:s14] =	ssyncadd.s32 $0xFFFFC000;
	s29 =	smov.u32 s26;
	s30 =	sadd.s32 $0x400, s26  }
0x35: {  	[tilespmem:s18], [sflag:$0x2] =	stream.indirect.gather [hbm4b:s4+s16], $0x80, s28, s16, $0xb8;
	[tilespmem:$0x1E800] =	vst v63  }
0x36: {  	p0 =	sne.s32 s26, $0x4800;
	_ =	swait.ge [sflag:s19], $0x4000  }
0x37: {  	[sflag:s19] =	ssyncset.done $0x0  }
0x38: {  	s26 =	sadd.s32 $0x1400, s25;
	[sflag:s19] =	ssyncadd.s32 $0xFFFFC000  }
0x39: {  	[spmem:s2] =	stream.indirect.scatter.add.f32 [tilespmem:s17], [sflag:$0x3], $0x80, s26, s16, $0xb8;
	[tilespmem:$0x1E800] =	vst v63  }
0x3a: {  	_ =	swait.ge [sflag:s14], $0x4000  }
0x3b: {  	[sflag:s14] =	ssyncset.done $0x0  }
0x3c: {  	s26 =	sadd.s32 $0x100, s25;
	[sflag:s14] =	ssyncadd.s32 $0xFFFFC000  }
0x3d: {  	[tilespmem:s17], [sflag:$0x1] =	stream.indirect.gather [hbm4b:s4+s16], $0x80, s26, s16, $0xb8;
	[tilespmem:$0x1E800] =	vst v63  }
0x3e: {  	_ =	swait.ge [sflag:s20], $0x4000  }
.Ltmp0:
0x3f: {  	[sflag:s20] =	ssyncset.done $0x0;
	(pc) =	sbr.rel @p0 .LBB2_2-.Ltmp0, $4  }
0x40: {  	s25 =	sadd.s32 $0x1480, s25;
	[sflag:s20] =	ssyncadd.s32 $0xFFFFC000  }
0x41: {  	[spmem:s2] =	stream.indirect.scatter.add.f32 [tilespmem:s18], [sflag:$0x3], $0x80, s25, s16, $0xb8;
	[tilespmem:$0x1E800] =	vst v63  }
0x42: {  	_ =	swait.ge [sflag:s14], $0x4000  }
0x43: {  	s26 =	smov.u32 s30;
	s25 =	sshra.s32 s29, $0x2;
	[sflag:s14] =	ssyncset.done $0x0  }
0x44: {  	s26 =	sadd.s32 $0x80, s25;
	[sflag:s14] =	ssyncadd.s32 $0xFFFFC000  }
0x45: {  	[tilespmem:s18], [sflag:$0x2] =	stream.indirect.gather [hbm4b:s4+s16], $0x80, s26, s16, $0xb8;
	[tilespmem:$0x1E800] =	vst v63  }
0x46: {  	_ =	swait.ge [sflag:s19], $0x4000  }
0x47: {  	[sflag:s19] =	ssyncset.done $0x0  }
0x48: {  	s29 =	sadd.s32 $0x1400, s25;
	[sflag:s19] =	ssyncadd.s32 $0xFFFFC000  }
0x49: {  	[spmem:s2] =	stream.indirect.scatter.add.f32 [tilespmem:s17], [sflag:$0x3], $0x80, s29, s16, $0xb8;
	[tilespmem:$0x1E800] =	vst v63  }
0x4a: {  	_ =	swait.ge [sflag:s14], $0x4000  }
0x4b: {  	[sflag:s14] =	ssyncset.done $0x0  }
0x4c: {  	s30 =	sadd.s32 $0x100, s25;
	[sflag:s14] =	ssyncadd.s32 $0xFFFFC000  }
0x4d: {  	[tilespmem:s17], [sflag:$0x1] =	stream.indirect.gather [hbm4b:s4+s16], $0x80, s30, s16, $0xb8;
	[tilespmem:$0x1E800] =	vst v63  }
0x4e: {  	_ =	swait.ge [sflag:s20], $0x4000  }
0x4f: {  	[sflag:s20] =	ssyncset.done $0x0  }
0x50: {  	s31 =	sadd.s32 $0x1480, s25;
	[sflag:s20] =	ssyncadd.s32 $0xFFFFC000  }
0x51: {  	[spmem:s2] =	stream.indirect.scatter.add.f32 [tilespmem:s18], [sflag:$0x3], $0x80, s31, s16, $0xb8;
	[tilespmem:$0x1E800] =	vst v63  }
0x52: {  	_ =	swait.ge [sflag:s14], $0x4000  }
0x53: {  	[sflag:s14] =	ssyncset.done $0x0  }
0x54: {  	[sflag:s14] =	ssyncadd.s32 $0xFFFFC000  }
0x55: {  	[tilespmem:s18], [sflag:$0x2] =	stream.indirect.gather [hbm4b:s4+s16], $0x80, s21, s16, $0xb8;
	[tilespmem:$0x1E800] =	vst v63  }
0x56: {  	_ =	swait.ge [sflag:s19], $0x4000  }
0x57: {  	[sflag:s19] =	ssyncset.done $0x0  }
0x58: {  	[sflag:s19] =	ssyncadd.s32 $0xFFFFC000  }
0x59: {  	[spmem:s2] =	stream.indirect.scatter.add.f32 [tilespmem:s17], [sflag:$0x3], $0x80, s22, s16, $0xb8;
	[tilespmem:$0x1E800] =	vst v63  }
0x5a: {  	_ =	swait.ge [sflag:s14], $0x4000  }
0x5b: {  	[sflag:s14] =	ssyncset.done $0x0  }
0x5c: {  	[sflag:s14] =	ssyncadd.s32 $0xFFFFC000  }
0x5d: {  	[tilespmem:s17], [sflag:$0x1] =	stream.indirect.gather [hbm4b:s4+s16], $0x80, s21, s16, $0xb8;
	[tilespmem:$0x1E800] =	vst v63  }
0x5e: {  	_ =	swait.ge [sflag:s20], $0x4000  }
0x5f: {  	[sflag:s20] =	ssyncset.done $0x0  }
0x60: {  	[sflag:s20] =	ssyncadd.s32 $0xFFFFC000  }
0x61: {  	[spmem:s2] =	stream.indirect.scatter.add.f32 [tilespmem:s18], [sflag:$0x3], $0x80, s23, s16, $0xb8;
	[tilespmem:$0x1E800] =	vst v63  }
0x62: {  	_ =	swait.ge [sflag:s14], $0x4000  }
0x63: {  	[sflag:s14] =	ssyncset.done $0x0  }
0x64: {  	[sflag:s14] =	ssyncadd.s32 $0xFFFFC000  }
0x65: {  	_ =	swait.ge [sflag:s19], $0x4000  }
0x66: {  	[sflag:s19] =	ssyncset.done $0x0  }
0x67: {  	s26 =	simm.s32 $0x0;
	[sflag:s19] =	ssyncadd.s32 $0xFFFFC000  }
0x68: {  	[tilespmem:s26], [sflag:$0x3] =	stream.linear.gather [hbm4b:s9+s26], $0x1400, $0x38;
	[tilespmem:$0x1E800] =	vst v63  }
0x69: {  	_ =	swait.ge [sflag:s14], $0x1400  }
0x6a: {  	[sflag:s14] =	ssyncset.done $0x0  }
0x6b: {  	[sflag:s14] =	ssyncadd.s32 $0xFFFFEC00  }
0x6c: {  	[tilespmem:s15], [sflag:$0x3] =	stream.linear.gather [hbm4b:s10+s26], $0x1400, $0x38;
	[tilespmem:$0x1E800] =	vst v63  }
0x6d: {  	_ =	swait.ge [sflag:s14], $0x1400  }
0x6e: {  	[sflag:s14] =	ssyncset.done $0x0  }
0x6f: {  	[sflag:s14] =	ssyncadd.s32 $0xFFFFEC00  }
0x70: {  	[tilespmem:s17], [sflag:$0x1] =	stream.indirect.gather [hbm4b:s4+s16], $0x80, s26, s16, $0xb8;
	[tilespmem:$0x1E800] =	vst v63  }
0x71: {  	s28 =	simm.s32 $0x80  }
0x72: {  	[tilespmem:s18], [sflag:$0x2] =	stream.indirect.gather [hbm4b:s4+s16], $0x80, s28, s16, $0xb8;
	[tilespmem:$0x1E800] =	vst v63  }
0x73: {  	_ =	swait.ge [sflag:s19], $0x4000  }
0x74: {  	[sflag:s19] =	ssyncset.done $0x0  }
0x75: {  	s29 =	simm.s32 $0x1400;
	[sflag:s19] =	ssyncadd.s32 $0xFFFFC000  }
0x76: {  	[spmem:s2] =	stream.indirect.scatter.add.f32 [tilespmem:s17], [sflag:$0x3], $0x80, s29, s16, $0xb8;
	[tilespmem:$0x1E800] =	vst v63  }
0x77: {  	_ =	swait.ge [sflag:s14], $0x4000  }
0x78: {  	[sflag:s14] =	ssyncset.done $0x0  }
0x79: {  	s30 =	simm.s32 $0x100;
	[sflag:s14] =	ssyncadd.s32 $0xFFFFC000  }
0x7a: {  	[tilespmem:s17], [sflag:$0x1] =	stream.indirect.gather [hbm4b:s4+s16], $0x80, s30, s16, $0xb8;
	[tilespmem:$0x1E800] =	vst v63  }
0x7b: {  	_ =	swait.ge [sflag:s20], $0x4000  }
0x7c: {  	[sflag:s20] =	ssyncset.done $0x0  }
0x7d: {  	s31 =	simm.s32 $0x1480;
	[sflag:s20] =	ssyncadd.s32 $0xFFFFC000  }
0x7e: {  	[spmem:s2] =	stream.indirect.scatter.add.f32 [tilespmem:s18], [sflag:$0x3], $0x80, s31, s16, $0xb8;
	[tilespmem:$0x1E800] =	vst v63  }
0x7f: {  	_ =	swait.ge [sflag:s14], $0x4000  }
0x80: {  	s25 =	simm.s32 $0x100;
	s26 =	simm.s32 $0x800;
	[sflag:s14] =	ssyncset.done $0x0  }
.LBB2_4:
0x81: {  	s28 =	sadd.s32 $0x80, s25  }
0x82: {  	[sflag:s14] =	ssyncadd.s32 $0xFFFFC000;
	s29 =	smov.u32 s26;
	s30 =	sadd.s32 $0x400, s26  }
0x83: {  	[tilespmem:s18], [sflag:$0x2] =	stream.indirect.gather [hbm4b:s4+s16], $0x80, s28, s16, $0xb8;
	[tilespmem:$0x1E800] =	vst v63  }
0x84: {  	p0 =	sne.s32 s26, $0x4800;
	_ =	swait.ge [sflag:s19], $0x4000  }
0x85: {  	[sflag:s19] =	ssyncset.done $0x0  }
0x86: {  	s26 =	sadd.s32 $0x1400, s25;
	[sflag:s19] =	ssyncadd.s32 $0xFFFFC000  }
0x87: {  	[spmem:s2] =	stream.indirect.scatter.add.f32 [tilespmem:s17], [sflag:$0x3], $0x80, s26, s16, $0xb8;
	[tilespmem:$0x1E800] =	vst v63  }
0x88: {  	_ =	swait.ge [sflag:s14], $0x4000  }
0x89: {  	[sflag:s14] =	ssyncset.done $0x0  }
0x8a: {  	s26 =	sadd.s32 $0x100, s25;
	[sflag:s14] =	ssyncadd.s32 $0xFFFFC000  }
0x8b: {  	[tilespmem:s17], [sflag:$0x1] =	stream.indirect.gather [hbm4b:s4+s16], $0x80, s26, s16, $0xb8;
	[tilespmem:$0x1E800] =	vst v63  }
0x8c: {  	_ =	swait.ge [sflag:s20], $0x4000  }
.Ltmp1:
0x8d: {  	[sflag:s20] =	ssyncset.done $0x0;
	(pc) =	sbr.rel @p0 .LBB2_4-.Ltmp1, $4  }
0x8e: {  	s25 =	sadd.s32 $0x1480, s25;
	[sflag:s20] =	ssyncadd.s32 $0xFFFFC000  }
0x8f: {  	[spmem:s2] =	stream.indirect.scatter.add.f32 [tilespmem:s18], [sflag:$0x3], $0x80, s25, s16, $0xb8;
	[tilespmem:$0x1E800] =	vst v63  }
0x90: {  	_ =	swait.ge [sflag:s14], $0x4000  }
0x91: {  	s26 =	smov.u32 s30;
	s25 =	sshra.s32 s29, $0x2;
	[sflag:s14] =	ssyncset.done $0x0  }
0x92: {  	s26 =	sadd.s32 $0x80, s25;
	[sflag:s14] =	ssyncadd.s32 $0xFFFFC000  }
0x93: {  	[tilespmem:s18], [sflag:$0x2] =	stream.indirect.gather [hbm4b:s4+s16], $0x80, s26, s16, $0xb8;
	[tilespmem:$0x1E800] =	vst v63  }
0x94: {  	_ =	swait.ge [sflag:s19], $0x4000  }
0x95: {  	[sflag:s19] =	ssyncset.done $0x0  }
0x96: {  	s29 =	sadd.s32 $0x1400, s25;
	[sflag:s19] =	ssyncadd.s32 $0xFFFFC000  }
0x97: {  	[spmem:s2] =	stream.indirect.scatter.add.f32 [tilespmem:s17], [sflag:$0x3], $0x80, s29, s16, $0xb8;
	[tilespmem:$0x1E800] =	vst v63  }
0x98: {  	_ =	swait.ge [sflag:s14], $0x4000  }
0x99: {  	[sflag:s14] =	ssyncset.done $0x0  }
0x9a: {  	s30 =	sadd.s32 $0x100, s25;
	[sflag:s14] =	ssyncadd.s32 $0xFFFFC000  }
0x9b: {  	[tilespmem:s17], [sflag:$0x1] =	stream.indirect.gather [hbm4b:s4+s16], $0x80, s30, s16, $0xb8;
	[tilespmem:$0x1E800] =	vst v63  }
0x9c: {  	_ =	swait.ge [sflag:s20], $0x4000  }
0x9d: {  	[sflag:s20] =	ssyncset.done $0x0  }
0x9e: {  	s31 =	sadd.s32 $0x1480, s25;
	[sflag:s20] =	ssyncadd.s32 $0xFFFFC000  }
0x9f: {  	[spmem:s2] =	stream.indirect.scatter.add.f32 [tilespmem:s18], [sflag:$0x3], $0x80, s31, s16, $0xb8;
	[tilespmem:$0x1E800] =	vst v63  }
0xa0: {  	_ =	swait.ge [sflag:s14], $0x4000  }
0xa1: {  	[sflag:s14] =	ssyncset.done $0x0  }
0xa2: {  	[sflag:s14] =	ssyncadd.s32 $0xFFFFC000  }
0xa3: {  	[tilespmem:s18], [sflag:$0x2] =	stream.indirect.gather [hbm4b:s4+s16], $0x80, s21, s16, $0xb8;
	[tilespmem:$0x1E800] =	vst v63  }
0xa4: {  	_ =	swait.ge [sflag:s19], $0x4000  }
0xa5: {  	[sflag:s19] =	ssyncset.done $0x0  }
0xa6: {  	[sflag:s19] =	ssyncadd.s32 $0xFFFFC000  }
0xa7: {  	[spmem:s2] =	stream.indirect.scatter.add.f32 [tilespmem:s17], [sflag:$0x3], $0x80, s22, s16, $0xb8;
	[tilespmem:$0x1E800] =	vst v63  }
0xa8: {  	_ =	swait.ge [sflag:s14], $0x4000  }
0xa9: {  	[sflag:s14] =	ssyncset.done $0x0  }
0xaa: {  	[sflag:s14] =	ssyncadd.s32 $0xFFFFC000  }
0xab: {  	[tilespmem:s17], [sflag:$0x1] =	stream.indirect.gather [hbm4b:s4+s16], $0x80, s21, s16, $0xb8;
	[tilespmem:$0x1E800] =	vst v63  }
0xac: {  	_ =	swait.ge [sflag:s20], $0x4000  }
0xad: {  	[sflag:s20] =	ssyncset.done $0x0  }
0xae: {  	[sflag:s20] =	ssyncadd.s32 $0xFFFFC000  }
0xaf: {  	[spmem:s2] =	stream.indirect.scatter.add.f32 [tilespmem:s18], [sflag:$0x3], $0x80, s23, s16, $0xb8;
	[tilespmem:$0x1E800] =	vst v63  }
0xb0: {  	_ =	swait.ge [sflag:s14], $0x4000  }
0xb1: {  	[sflag:s14] =	ssyncset.done $0x0  }
0xb2: {  	[sflag:s14] =	ssyncadd.s32 $0xFFFFC000  }
0xb3: {  	_ =	swait.ge [sflag:s19], $0x4000  }
0xb4: {  	s24 =	sadd.s32 $0x1, s24;
	[sflag:s19] =	ssyncset.done $0x0  }
0xb5: {  	p0 =	sne.s32 s24, s12;
	[sflag:s19] =	ssyncadd.s32 $0xFFFFC000  }
.Ltmp2:
0xb6: {  	[bflag:$0x0] =	sbarrier.arrive $0xFFFF;
	(pc) =	sbr.rel @p0 .LBB2_1-.Ltmp2, $4  }
0xb7: {  	[hbm:s11], [sflag:s6] =	dma.local [spmem:s13], $0x2800  }
0xb8: {  	_ =	swait.ge [sflag:s14], $0x2800  }
0xb9: {  	[sflag:s14] =	ssyncset.done $0x0  }
0xba: {  	[sflag:s14] =	ssyncadd.s32 $0xFFFFD800  }
0xbb: {  	_ =	sfence.sel $0x180000  }
0xbc: {  	[bflag:$0x0] =	sbarrier.arrive $0xFFFF  }
0xbd: {  	p0 =	sne.s32 s1, $0x0;
	_ =	strace $0x9000004A  }
0xbe: {  	s0 =	sadd.s32 @!p0 $0x100000, s0;
	[bflag:$0x2] =	sbarrier.arrive $0xFFFF  }
0xbf: {  	[sflag:s0] =	ssyncadd.tile.s32 @!p0 $0x1;
	_ =	shalt  }
.Lfunc_end2:
_tile_overlayer_lowered:
.L_overlay_start_2:
0xc0: {  	(tag) =	ssettag $0x2  }
0xc1: {  	s0 =	rddreg [dreg:$0x0];
	s2 =	stileid.u32  }
0xc2: {  	s1 =	rddreg [dreg:$0x1];
	p0 =	sne.s32 s2, $0x0  }
0xc3: {  	s3 =	rddreg [dreg:$0x2];
	[bflag:$0x3] =	sbarrier.arrive $0xFFFF;
	s2 =	simm.s32 @!p0 $0x1C03  }
0xc4: {  	[timem:s3], [sflag:s2] =	dma.local @!p0 [hbm:s0], s1  }
0xc5: {  	s0 =	simm.s32 @!p0 $0x3  }
0xc6: {  	_ =	swait.ge @!p0 [sflag:s0], s1  }
0xc7: {  	s1 =	ssub.s32 @!p0 $0x0, s1;
	[sflag:s0] =	ssyncset.done @!p0 $0x0  }
0xc8: {  	[sflag:s0] =	ssyncadd.s32 @!p0 s1  }
0xc9: {  	[bflag:$0x3] =	sbarrier.arrive $0xFFFF  }
0xca: {  	_ =	shalt  }

// kernel: kernel.14.cloned.1.call-start
scs
__scs_entry_jumppad:
0x0: {  	(pc) =	sbr.rel $0x88, $3  }
0x1: {  	(tag) =	ssettag $0x0;
	lr =	simm.s32 $0x1  }
0x2: {  	[smem:$0x3F9B] =	sst lr;
	_ =	strace $0xD0000000  }
0x3: {  	_ = 	snop  }
0x4: {  	_ = 	snop  }
0x5: {  	_ = 	snop  }
0x6: {  	_ = 	snop  }
0x7: {  	_ = 	snop  }
__scs_overlays_trampoline_lowered:
0x8: {  	[smem:$0x3FAA] =	sst s0  }
0x9: {  	[smem:$0x3FAB] =	sst s1  }
0xa: {  	[smem:$0x3FAC] =	sst s2  }
0xb: {  	[smem:$0x3FAD] =	sst s3  }
0xc: {  	[smem:$0x3FAE] =	sst s4  }
0xd: {  	[smem:$0x3FAF] =	sst s5  }
0xe: {  	[smem:$0x3FB0] =	sst s6  }
0xf: {  	[smem:$0x3FB1] =	sst s7  }
0x10: {  	[smem:$0x3FB2] =	sst s8  }
0x11: {  	[smem:$0x3FB3] =	sst s9;
	s0 =	simm.s32 @!p0 $0x0  }
0x12: {  	s1 =	sld [smem:$0x3F99];
	s0 =	simm.s32 @p0 $0x1  }
0x13: {  	[smem:$0x3FB4] =	sst s0;
	s0 =	simm.s32 @!p1 $0x0  }
0x14: {  	s2 =	sld [smem:$0x3F98];
	s0 =	simm.s32 @p1 $0x1  }
0x15: {  	[smem:$0x3FB5] =	sst s0;
	s0 =	simm.s32 @!p2 $0x0  }
0x16: {  	s3 =	sld [smem:$0x3FDB];
	s0 =	simm.s32 @p2 $0x1  }
0x17: {  	s4 =	simm.s32 $0x1BF5;
	[smem:$0x3FB7] =	sst s0  }
0x18: {  	s0 =	sld [smem:$0x3F9A];
	_ =	swait.ge [sflag:s4], $0x0  }
0x19: {  	s7 =	sld [smem:$0x3F9B]  }
0x1a: {  	s8 =	sadd.s32 $0xFFFFE003, lr  }
0x1b: {  	s9 =	sadd.s32 $0xFFFFFEF7, lr;
	s5 =	simm.s32 $0xFFFFFFFF;
	p2 =	slt.u32 s8, $0xFFFFF086  }
0x1c: {  	p1 =	slt.u32 s9, $0xF7A;
	s5 =	simm.s32 @!p2 $0x0  }
0x1d: {  	s5 =	simm.s32 @p1 $0x1;
	p0 =	seq.s32 s7, s2  }
0x1e: {  	s7 =	smul.u32 @!p0 $0xF7A, s2;
	p2 =	seq.s32 @!p0 s5, $0x0  }
0x1f: {  	s9 =	smul.u32 $0xF7A, s1;
	s8 =	simm.s32 @!p0 $0x1BF5;
	p2 =	por !p2, p0  }
0x20: {  	[sflag:s8] =	ssyncset.s32 @!p0 $0xFFFFF086;
	s6 =	sadd.s32 @!p0 s3, s7;
	s7 =	simm.s32 @!p0 $0x108  }
0x21: {  	s3 =	sadd.s32 s3, s9;
	s6 =	sadd.s32 @!p0 $0x88, s6;
	s7 =	simm.s32 @p2 $0x1082  }
0x22: {  	[simem:s7], [sflag:s8] =	dma.local @!p0 [hbm:s6], $0xF7A  }
0x23: {  	s9 =	sor.u32 $0xD0000000, s2;
	s6 =	simm.s32 $0x108;
	_ =	swait.ge @!p0 [sflag:s8], $0x0  }
0x24: {  	s3 =	sadd.s32 $0x88, s3;
	s6 =	simm.s32 @!p1 $0x1082;
	[sflag:s4] =	ssyncset.s32 $0xFFFFF086  }
0x25: {  	[simem:s6], [sflag:s4] =	dma.local [hbm:s3], $0xF7A  }
0x26: {  	[smem:$0x3F9B] =	sst s1;
	(tag) =	ssettag s2;
	_ =	strace s9  }
0x27: {  	s1 =	sld [smem:$0x3FAB]  }
0x28: {  	s2 =	sld [smem:$0x3FAC]  }
0x29: {  	s4 =	sld [smem:$0x3FAE]  }
0x2a: {  	p0 =	seq.s32 s5, $0x0;
	s5 =	sld [smem:$0x3FAF]  }
0x2b: {  	s6 =	sld [smem:$0x3FB0]  }
0x2c: {  	s7 =	sld [smem:$0x3FB1]  }
0x2d: {  	s3 =	simm.s32 $0x108;
	s8 =	sld [smem:$0x3FB2]  }
0x2e: {  	s3 =	simm.s32 @!p0 $0x1082;
	s9 =	sld [smem:$0x3FB3]  }
0x2f: {  	lr =	sadd.s32 s0, s3;
	s0 =	sld [smem:$0x3FAA]  }
0x30: {  	s3 =	sld [smem:$0x3FAD]  }
0x31: {  	[smem:$0x3FB6] =	sst s10  }
0x32: {  	s10 =	sld [smem:$0x3FB4];
	_ =	sdelay $0x3  }
0x33: {  	p0 =	seq.s32 s10, $0x1;
	s10 =	sld [smem:$0x3FB6];
	_ =	sdelay $0x3  }
0x34: {  	[smem:$0x3FB6] =	sst s10  }
0x35: {  	s10 =	sld [smem:$0x3FB5];
	_ =	sdelay $0x3  }
0x36: {  	p1 =	seq.s32 s10, $0x1;
	s10 =	sld [smem:$0x3FB6];
	_ =	sdelay $0x3  }
0x37: {  	[smem:$0x3FB6] =	sst s10  }
0x38: {  	s10 =	sld [smem:$0x3FB7]  }
0x39: {  	_ = 	snop;
	(pc) =	sbr.ind lr, $3  }
0x3a: {  	_ = 	snop  }
0x3b: {  	_ = 	snop  }
0x3c: {  	p2 =	seq.s32 s10, $0x1;
	s10 =	sld [smem:$0x3FB6]  }
0x3d: {  	_ =	shalt  }
0x3e: {  	_ =	shalt  }
0x3f: {  	_ =	shalt  }
0x40: {  	_ =	shalt  }
0x41: {  	_ =	shalt  }
0x42: {  	_ =	shalt  }
0x43: {  	_ =	shalt  }
0x44: {  	_ =	shalt  }
0x45: {  	_ =	shalt  }
0x46: {  	_ =	shalt  }
0x47: {  	_ =	shalt  }
0x48: {  	_ =	shalt  }
0x49: {  	_ =	shalt  }
0x4a: {  	_ =	shalt  }
0x4b: {  	_ =	shalt  }
0x4c: {  	_ =	shalt  }
0x4d: {  	_ =	shalt  }
0x4e: {  	_ =	shalt  }
0x4f: {  	_ =	shalt  }
0x50: {  	_ =	shalt  }
0x51: {  	_ =	shalt  }
0x52: {  	_ =	shalt  }
0x53: {  	_ =	shalt  }
0x54: {  	_ =	shalt  }
0x55: {  	_ =	shalt  }
0x56: {  	_ =	shalt  }
0x57: {  	_ =	shalt  }
0x58: {  	_ =	shalt  }
0x59: {  	_ =	shalt  }
0x5a: {  	_ =	shalt  }
0x5b: {  	_ =	shalt  }
0x5c: {  	_ =	shalt  }
0x5d: {  	_ =	shalt  }
0x5e: {  	_ =	shalt  }
0x5f: {  	_ =	shalt  }
0x60: {  	_ =	shalt  }
0x61: {  	_ =	shalt  }
0x62: {  	_ =	shalt  }
0x63: {  	_ =	shalt  }
0x64: {  	_ =	shalt  }
0x65: {  	_ =	shalt  }
0x66: {  	_ =	shalt  }
0x67: {  	_ =	shalt  }
0x68: {  	_ =	shalt  }
0x69: {  	_ =	shalt  }
0x6a: {  	_ =	shalt  }
0x6b: {  	_ =	shalt  }
0x6c: {  	_ =	shalt  }
0x6d: {  	_ =	shalt  }
0x6e: {  	_ =	shalt  }
0x6f: {  	_ =	shalt  }
0x70: {  	_ =	shalt  }
0x71: {  	_ =	shalt  }
0x72: {  	_ =	shalt  }
0x73: {  	_ =	shalt  }
0x74: {  	_ =	shalt  }
0x75: {  	_ =	shalt  }
0x76: {  	_ =	shalt  }
0x77: {  	_ =	shalt  }
0x78: {  	_ =	shalt  }
0x79: {  	_ =	shalt  }
0x7a: {  	_ =	shalt  }
0x7b: {  	_ =	shalt  }
0x7c: {  	_ =	shalt  }
0x7d: {  	_ =	shalt  }
0x7e: {  	_ =	shalt  }
0x7f: {  	_ =	shalt  }
0x80: {  	_ =	shalt  }
0x81: {  	_ =	shalt  }
0x82: {  	_ =	shalt  }
0x83: {  	_ =	shalt  }
0x84: {  	_ =	shalt  }
0x85: {  	_ =	shalt  }
0x86: {  	_ =	shalt  }
0x87: {  	_ =	shalt  }
.Lfunc_end0:
.L_simem_size_0:
called_computation.2_lowered:
.L_overlay_start_0:
0x88: {  	s2 =	sld [smem:$0x3FD9]  }
0x89: {  	s3 =	sld [smem:$0x3FFE];
	_ =	sdelay $0x1  }
0x8a: {  	s1 =	srdreg.scid  }
0x8b: {  	s0 =	sand.u32 $0x1, s1  }
0x8c: {  	s17 =	sshll.u32 s0, $0xA;
	s2 =	sadd.s32 s3, s2  }
0x8d: {  	s2 =	sadd.s32 s2, s17  }
0x8e: {  	[smem:$0x3FC2] =	sst s2  }
0x8f: {  	_ = 	snop  }
0x90: {  	s2 =	sld [smem:$0x3FD0];
	(tm) =	ssettm $0x1  }
0x91: {  	s18 =	sld [smem:$0x3FFB];
	_ =	sdelay $0x3  }
0x92: {  	_ =	strace s18  }
0x93: {  	s3 =	sld [smem:$0x3FFC];
	_ =	sdelay $0x3  }
0x94: {  	_ =	strace s3  }
0x95: {  	s3 =	sld [smem:$0x3FFD];
	_ =	sdelay $0x3  }
0x96: {  	_ =	strace s3  }
0x97: {  	_ =	strace $0x8FFFFFFF  }
0x98: {  	s19 =	sld [smem:$0x3FDB];
	_ =	sdelay $0x1  }
0x99: {  	s4 =	simm.s32 $_scs_section_size  }
0x9a: {  	s5 =	simm.s32 $_size__tile_overlayer_lowered;
	s6 =	simm.s32 $_tile_overlayer_lowered  }
0x9b: {  	s22 =	simm.s32 $0x1BFF;
	s21 =	sshll.u32 s6, $0x1;
	s3 =	sadd.s32 s4, s19  }
0x9c: {  	s7 =	simm.s32 $0x0;
	s20 =	sshll.u32 s5, $0x1;
	s5 =	sadd.s32 s21, s3  }
0x9d: {  	[timem:s7], [sflag:s22] =	dma.local [hbm:s5], s20  }
0x9e: {  	_ =	swait.ge [sflag:s22], s20  }
0x9f: {  	s4 =	ssub.s32 $0x0, s20;
	[sflag:s22] =	ssyncset.done $0x0  }
0xa0: {  	[sflag:s22] =	ssyncadd.s32 s4;
	_ =	sdelay $0x1  }
0xa1: {  	s23 =	simm.s32 $0x1B8B  }
0xa2: {  	_ =	swait.ge [sflag:s23], $0x1  }
0xa3: {  	[sflag:s23] =	ssyncset.done $0x0  }
0xa4: {  	s25 =	simm.s32 $0x1B8E;
	s24 =	sld [smem:$0x3FFE];
	[sflag:s23] =	ssyncadd.s32 $0xFFFFFFFF  }
0xa5: {  	s26 =	simm.s32 $execute0_lowered;
	[smem:$0x3FD2] =	sst s25  }
0xa6: {  	s5 =	sshll.u32 s26, $0x1;
	_ =	strace $0x8000004C;
	[dreg:$0x1] =	wrdreg $0xFFFFFFFF  }
0xa7: {  	s28 =	simm.s32 $_size_execute0_lowered;
	s3 =	sadd.s32 s3, s5;
	[dreg:$0x0] =	wrdreg $0x0  }
0xa8: {  	s5 =	sshll.u32 s28, $0x1;
	[dreg:$0x2] =	wrdreg s3  }
0xa9: {  	[dreg:$0x3] =	wrdreg s5  }
0xaa: {  	[dreg:$0x4] =	wrdreg $0xC0  }
0xab: {  	_ =	task [dreg:s7], $0x5FFFF  }
0xac: {  	[dreg:$0x1] =	wrdreg $0xFFFFFFFF  }
0xad: {  	[dreg:$0x0] =	wrdreg $0x60  }
0xae: {  	[dreg:$0x2] =	wrdreg s24  }
0xaf: {  	[dreg:$0x3] =	wrdreg s2  }
0xb0: {  	[dreg:$0x4] =	wrdreg $0xA8000  }
0xb1: {  	[dreg:$0x5] =	wrdreg $0x9  }
0xb2: {  	_ =	task.clear_ibuf [dreg:s7], $0x6FFFF;
	_ =	strace $0x9000004C  }
0xb3: {  	s29 =	simm.s32 $0x9;
	_ =	strace $0x8000004E  }
0xb4: {  	_ =	swait.ge [sflag:s29], $0x1  }
0xb5: {  	[sflag:s29] =	ssyncadd.s32 $0xFFFFFFFF  }
0xb6: {  	_ =	strace $0x9000004E  }
0xb7: {  	_ =	sfence  }
0xb8: {  	s30 =	sld [smem:$0x0];
	_ =	sdelay $0x2  }
0xb9: {  	s31 =	sshll.u32 s1, $0xD;
	s1 =	sshrl.u32 s1, $0x2  }
0xba: {  	s3 =	sand.u32 $0x4000, s31;
	s1 =	sadd.s32 s1, s30  }
0xbb: {  	s0 =	sor.u32 s3, s0;
	s1 =	sshll.u32 s1, $0x11  }
0xbc: {  	s0 =	sor.u32 s1, s0  }
0xbd: {  	s0 =	sadd.s32 $0x8F2B, s0  }
0xbe: {  	[sflag:s0] =	ssyncadd.remote.s32 $0x1  }
0xbf: {  	_ =	sfence.sel $0xFFFF  }
0xc0: {  	[dreg:$0x0] =	wrdreg $0xFFFFFFFF;
	(pc) =	sbr.abs _section_cstart, $3  }
0xc1: {  	[dreg:$0x1] =	wrdreg $0xFFFFFFFF  }
0xc2: {  	_ =	task.clear_ibuf [dreg:s7], $0x2FFFF;
	_ =	strace $0x9FFFFFFF  }
0xc3: {  	(tm) =	ssettm $0x7FFFFFFF  }
tec
execute0_lowered:
.L_overlay_start_1:
0x0: {  	(tag) =	ssettag $0x1  }
0x1: {  	s5 =	rddreg [dreg:$0x0]  }
0x2: {  	s9 =	rddreg [dreg:$0x1]  }
0x3: {  	s2 =	rddreg [dreg:$0x2]  }
0x4: {  	s0 =	rddreg [dreg:$0x3]  }
0x5: {  	s1 =	stileid.u32;
	s3 =	simm.s32 $0x0;
	s4 =	srdreg.scid  }
0x6: {  	s17 =	simm.s32 $0x2800;
	s18 =	simm.s32 $0x6800;
	s19 =	simm.s32 $0x1  }
0x7: {  	s20 =	simm.s32 $0x2;
	s21 =	simm.s32 $0x1380;
	s22 =	simm.s32 $0x2700  }
0x8: {  	s23 =	simm.s32 $0x2780;
	s24 =	simm.s32 $0x0;
	s6 =	smul.u32 $0x14000, s1  }
0x9: {  	[smem:$0x7FF] =	sst s3;
	s7 =	sand.u32 $0x1, s4;
	s4 =	sadd.s32 $0x85200, s5  }
0xa: {  	s11 =	sadd.s32 $0x2A00, s5;
	s26 =	smul.u32 $0x50000, s1;
	s28 =	sshll.u32 s1, $0x6  }
0xb: {  	_ =	strace $0x8000004D;
	s10 =	smul.u32 $0x140000, s7;
	s12 =	sshll.u32 s7, $0x4  }
0xc: {  	s7 =	ssub.s32 $0x2, s7;
	s8 =	sshrl.u32 s6, $0x3;
	s12 =	sor.u32 s1, s12  }
0xd: {  	s13 =	sshrl.u32 s7, $0x1;
	s8 =	sadd.s32 s8, s5;
	s6 =	sadd.s32 s6, s10  }
0xe: {  	s10 =	sshrl.u32 s26, $0x2;
	s14 =	smul.u32 $0x2800, s12;
	s13 =	ssub.s32 s7, s13  }
0xf: {  	s29 =	smul.u32 $0x500, s12;
	s6 =	sshrl.u32 s6, $0x3;
	s16 =	sadd.s32 s10, s2  }
0x10: {  	s12 =	smax.u32 s13, $0x1;
	s15 =	sadd.s32 s6, s5;
	s30 =	sshrl.u32 s14, $0x3  }
0x11: {  	s5 =	sadd.s32 $0xD200, s8;
	s6 =	sor.u32 $0x1C03, s28;
	s7 =	sadd.s32 s9, s29  }
0x12: {  	s8 =	sadd.s32 s11, s29;
	s13 =	sshrl.u32 s16, $0x3;
	s31 =	sadd.s32 $0x280, s30  }
0x13: {  	s14 =	simm.s32 $0x3;
	s16 =	simm.s32 $0x80;
	s9 =	sadd.s32 s9, s31  }
0x14: {  	s10 =	sadd.s32 s11, s31;
	s11 =	sadd.s32 $0xAD200, s15;
	s15 =	simm.s32 $0x1400  }
.LBB2_1:
0x15: {  	[spmem:s13], [sflag:s6] =	dma.local [hbm:s5], $0x2800  }
0x16: {  	_ =	swait.ge [sflag:s14], $0x2800  }
0x17: {  	[sflag:s14] =	ssyncset.done $0x0  }
0x18: {  	[sflag:s14] =	ssyncadd.s32 $0xFFFFD800  }
0x19: {  	[bflag:$0x0] =	sbarrier.arrive $0xFFFF  }
0x1a: {  	[tilespmem:s3], [sflag:$0x3] =	stream.linear.gather [hbm4b:s7+s3], $0x1400, $0x38;
	[tilespmem:$0x1E800] =	vst v63  }
0x1b: {  	_ =	swait.ge [sflag:s14], $0x1400  }
0x1c: {  	[sflag:s14] =	ssyncset.done $0x0  }
0x1d: {  	[sflag:s14] =	ssyncadd.s32 $0xFFFFEC00  }
0x1e: {  	[tilespmem:s15], [sflag:$0x3] =	stream.linear.gather [hbm4b:s8+s3], $0x1400, $0x38;
	[tilespmem:$0x1E800] =	vst v63  }
0x1f: {  	_ =	swait.ge [sflag:s14], $0x1400  }
0x20: {  	[sflag:s14] =	ssyncset.done $0x0  }
0x21: {  	[sflag:s14] =	ssyncadd.s32 $0xFFFFEC00  }
0x22: {  	[tilespmem:s17], [sflag:$0x1] =	stream.indirect.gather [hbm4b:s4+s16], $0x80, s3, s16, $0xb8;
	[tilespmem:$0x1E800] =	vst v63  }
0x23: {  	s25 =	simm.s32 $0x80  }
0x24: {  	[tilespmem:s18], [sflag:$0x2] =	stream.indirect.gather [hbm4b:s4+s16], $0x80, s25, s16, $0xb8;
	[tilespmem:$0x1E800] =	vst v63  }
0x25: {  	_ =	swait.ge [sflag:s19], $0x4000  }
0x26: {  	[sflag:s19] =	ssyncset.done $0x0  }
0x27: {  	s29 =	simm.s32 $0x1400;
	[sflag:s19] =	ssyncadd.s32 $0xFFFFC000  }
0x28: {  	[spmem:s2] =	stream.indirect.scatter.add.f32 [tilespmem:s17], [sflag:$0x3], $0x80, s29, s16, $0xb8;
	[tilespmem:$0x1E800] =	vst v63  }
0x29: {  	_ =	swait.ge [sflag:s14], $0x4000  }
0x2a: {  	[sflag:s14] =	ssyncset.done $0x0  }
0x2b: {  	s30 =	simm.s32 $0x100;
	[sflag:s14] =	ssyncadd.s32 $0xFFFFC000  }
0x2c: {  	[tilespmem:s17], [sflag:$0x1] =	stream.indirect.gather [hbm4b:s4+s16], $0x80, s30, s16, $0xb8;
	[tilespmem:$0x1E800] =	vst v63  }
0x2d: {  	_ =	swait.ge [sflag:s20], $0x4000  }
0x2e: {  	[sflag:s20] =	ssyncset.done $0x0  }
0x2f: {  	s31 =	simm.s32 $0x1480;
	[sflag:s20] =	ssyncadd.s32 $0xFFFFC000  }
0x30: {  	[spmem:s2] =	stream.indirect.scatter.add.f32 [tilespmem:s18], [sflag:$0x3], $0x80, s31, s16, $0xb8;
	[tilespmem:$0x1E800] =	vst v63  }
0x31: {  	_ =	swait.ge [sflag:s14], $0x4000  }
0x32: {  	s26 =	simm.s32 $0x800;
	s25 =	simm.s32 $0x100;
	[sflag:s14] =	ssyncset.done $0x0  }
.LBB2_2:
0x33: {  	s28 =	sadd.s32 $0x80, s25  }
0x34: {  	[sflag:s14] =	ssyncadd.s32 $0xFFFFC000;
	s29 =	smov.u32 s26;
	s30 =	sadd.s32 $0x400, s26  }
0x35: {  	[tilespmem:s18], [sflag:$0x2] =	stream.indirect.gather [hbm4b:s4+s16], $0x80, s28, s16, $0xb8;
	[tilespmem:$0x1E800] =	vst v63  }
0x36: {  	p0 =	sne.s32 s26, $0x4800;
	_ =	swait.ge [sflag:s19], $0x4000  }
0x37: {  	[sflag:s19] =	ssyncset.done $0x0  }
0x38: {  	s26 =	sadd.s32 $0x1400, s25;
	[sflag:s19] =	ssyncadd.s32 $0xFFFFC000  }
0x39: {  	[spmem:s2] =	stream.indirect.scatter.add.f32 [tilespmem:s17], [sflag:$0x3], $0x80, s26, s16, $0xb8;
	[tilespmem:$0x1E800] =	vst v63  }
0x3a: {  	_ =	swait.ge [sflag:s14], $0x4000  }
0x3b: {  	[sflag:s14] =	ssyncset.done $0x0  }
0x3c: {  	s26 =	sadd.s32 $0x100, s25;
	[sflag:s14] =	ssyncadd.s32 $0xFFFFC000  }
0x3d: {  	[tilespmem:s17], [sflag:$0x1] =	stream.indirect.gather [hbm4b:s4+s16], $0x80, s26, s16, $0xb8;
	[tilespmem:$0x1E800] =	vst v63  }
0x3e: {  	_ =	swait.ge [sflag:s20], $0x4000  }
.Ltmp0:
0x3f: {  	[sflag:s20] =	ssyncset.done $0x0;
	(pc) =	sbr.rel @p0 .LBB2_2-.Ltmp0, $4  }
0x40: {  	s25 =	sadd.s32 $0x1480, s25;
	[sflag:s20] =	ssyncadd.s32 $0xFFFFC000  }
0x41: {  	[spmem:s2] =	stream.indirect.scatter.add.f32 [tilespmem:s18], [sflag:$0x3], $0x80, s25, s16, $0xb8;
	[tilespmem:$0x1E800] =	vst v63  }
0x42: {  	_ =	swait.ge [sflag:s14], $0x4000  }
0x43: {  	s26 =	smov.u32 s30;
	s25 =	sshra.s32 s29, $0x2;
	[sflag:s14] =	ssyncset.done $0x0  }
0x44: {  	s26 =	sadd.s32 $0x80, s25;
	[sflag:s14] =	ssyncadd.s32 $0xFFFFC000  }
0x45: {  	[tilespmem:s18], [sflag:$0x2] =	stream.indirect.gather [hbm4b:s4+s16], $0x80, s26, s16, $0xb8;
	[tilespmem:$0x1E800] =	vst v63  }
0x46: {  	_ =	swait.ge [sflag:s19], $0x4000  }
0x47: {  	[sflag:s19] =	ssyncset.done $0x0  }
0x48: {  	s29 =	sadd.s32 $0x1400, s25;
	[sflag:s19] =	ssyncadd.s32 $0xFFFFC000  }
0x49: {  	[spmem:s2] =	stream.indirect.scatter.add.f32 [tilespmem:s17], [sflag:$0x3], $0x80, s29, s16, $0xb8;
	[tilespmem:$0x1E800] =	vst v63  }
0x4a: {  	_ =	swait.ge [sflag:s14], $0x4000  }
0x4b: {  	[sflag:s14] =	ssyncset.done $0x0  }
0x4c: {  	s30 =	sadd.s32 $0x100, s25;
	[sflag:s14] =	ssyncadd.s32 $0xFFFFC000  }
0x4d: {  	[tilespmem:s17], [sflag:$0x1] =	stream.indirect.gather [hbm4b:s4+s16], $0x80, s30, s16, $0xb8;
	[tilespmem:$0x1E800] =	vst v63  }
0x4e: {  	_ =	swait.ge [sflag:s20], $0x4000  }
0x4f: {  	[sflag:s20] =	ssyncset.done $0x0  }
0x50: {  	s31 =	sadd.s32 $0x1480, s25;
	[sflag:s20] =	ssyncadd.s32 $0xFFFFC000  }
0x51: {  	[spmem:s2] =	stream.indirect.scatter.add.f32 [tilespmem:s18], [sflag:$0x3], $0x80, s31, s16, $0xb8;
	[tilespmem:$0x1E800] =	vst v63  }
0x52: {  	_ =	swait.ge [sflag:s14], $0x4000  }
0x53: {  	[sflag:s14] =	ssyncset.done $0x0  }
0x54: {  	[sflag:s14] =	ssyncadd.s32 $0xFFFFC000  }
0x55: {  	[tilespmem:s18], [sflag:$0x2] =	stream.indirect.gather [hbm4b:s4+s16], $0x80, s21, s16, $0xb8;
	[tilespmem:$0x1E800] =	vst v63  }
0x56: {  	_ =	swait.ge [sflag:s19], $0x4000  }
0x57: {  	[sflag:s19] =	ssyncset.done $0x0  }
0x58: {  	[sflag:s19] =	ssyncadd.s32 $0xFFFFC000  }
0x59: {  	[spmem:s2] =	stream.indirect.scatter.add.f32 [tilespmem:s17], [sflag:$0x3], $0x80, s22, s16, $0xb8;
	[tilespmem:$0x1E800] =	vst v63  }
0x5a: {  	_ =	swait.ge [sflag:s14], $0x4000  }
0x5b: {  	[sflag:s14] =	ssyncset.done $0x0  }
0x5c: {  	[sflag:s14] =	ssyncadd.s32 $0xFFFFC000  }
0x5d: {  	[tilespmem:s17], [sflag:$0x1] =	stream.indirect.gather [hbm4b:s4+s16], $0x80, s21, s16, $0xb8;
	[tilespmem:$0x1E800] =	vst v63  }
0x5e: {  	_ =	swait.ge [sflag:s20], $0x4000  }
0x5f: {  	[sflag:s20] =	ssyncset.done $0x0  }
0x60: {  	[sflag:s20] =	ssyncadd.s32 $0xFFFFC000  }
0x61: {  	[spmem:s2] =	stream.indirect.scatter.add.f32 [tilespmem:s18], [sflag:$0x3], $0x80, s23, s16, $0xb8;
	[tilespmem:$0x1E800] =	vst v63  }
0x62: {  	_ =	swait.ge [sflag:s14], $0x4000  }
0x63: {  	[sflag:s14] =	ssyncset.done $0x0  }
0x64: {  	[sflag:s14] =	ssyncadd.s32 $0xFFFFC000  }
0x65: {  	_ =	swait.ge [sflag:s19], $0x4000  }
0x66: {  	[sflag:s19] =	ssyncset.done $0x0  }
0x67: {  	s26 =	simm.s32 $0x0;
	[sflag:s19] =	ssyncadd.s32 $0xFFFFC000  }
0x68: {  	[tilespmem:s26], [sflag:$0x3] =	stream.linear.gather [hbm4b:s9+s26], $0x1400, $0x38;
	[tilespmem:$0x1E800] =	vst v63  }
0x69: {  	_ =	swait.ge [sflag:s14], $0x1400  }
0x6a: {  	[sflag:s14] =	ssyncset.done $0x0  }
0x6b: {  	[sflag:s14] =	ssyncadd.s32 $0xFFFFEC00  }
0x6c: {  	[tilespmem:s15], [sflag:$0x3] =	stream.linear.gather [hbm4b:s10+s26], $0x1400, $0x38;
	[tilespmem:$0x1E800] =	vst v63  }
0x6d: {  	_ =	swait.ge [sflag:s14], $0x1400  }
0x6e: {  	[sflag:s14] =	ssyncset.done $0x0  }
0x6f: {  	[sflag:s14] =	ssyncadd.s32 $0xFFFFEC00  }
0x70: {  	[tilespmem:s17], [sflag:$0x1] =	stream.indirect.gather [hbm4b:s4+s16], $0x80, s26, s16, $0xb8;
	[tilespmem:$0x1E800] =	vst v63  }
0x71: {  	s28 =	simm.s32 $0x80  }
0x72: {  	[tilespmem:s18], [sflag:$0x2] =	stream.indirect.gather [hbm4b:s4+s16], $0x80, s28, s16, $0xb8;
	[tilespmem:$0x1E800] =	vst v63  }
0x73: {  	_ =	swait.ge [sflag:s19], $0x4000  }
0x74: {  	[sflag:s19] =	ssyncset.done $0x0  }
0x75: {  	s29 =	simm.s32 $0x1400;
	[sflag:s19] =	ssyncadd.s32 $0xFFFFC000  }
0x76: {  	[spmem:s2] =	stream.indirect.scatter.add.f32 [tilespmem:s17], [sflag:$0x3], $0x80, s29, s16, $0xb8;
	[tilespmem:$0x1E800] =	vst v63  }
0x77: {  	_ =	swait.ge [sflag:s14], $0x4000  }
0x78: {  	[sflag:s14] =	ssyncset.done $0x0  }
0x79: {  	s30 =	simm.s32 $0x100;
	[sflag:s14] =	ssyncadd.s32 $0xFFFFC000  }
0x7a: {  	[tilespmem:s17], [sflag:$0x1] =	stream.indirect.gather [hbm4b:s4+s16], $0x80, s30, s16, $0xb8;
	[tilespmem:$0x1E800] =	vst v63  }
0x7b: {  	_ =	swait.ge [sflag:s20], $0x4000  }
0x7c: {  	[sflag:s20] =	ssyncset.done $0x0  }
0x7d: {  	s31 =	simm.s32 $0x1480;
	[sflag:s20] =	ssyncadd.s32 $0xFFFFC000  }
0x7e: {  	[spmem:s2] =	stream.indirect.scatter.add.f32 [tilespmem:s18], [sflag:$0x3], $0x80, s31, s16, $0xb8;
	[tilespmem:$0x1E800] =	vst v63  }
0x7f: {  	_ =	swait.ge [sflag:s14], $0x4000  }
0x80: {  	s25 =	simm.s32 $0x100;
	s26 =	simm.s32 $0x800;
	[sflag:s14] =	ssyncset.done $0x0  }
.LBB2_4:
0x81: {  	s28 =	sadd.s32 $0x80, s25  }
0x82: {  	[sflag:s14] =	ssyncadd.s32 $0xFFFFC000;
	s29 =	smov.u32 s26;
	s30 =	sadd.s32 $0x400, s26  }
0x83: {  	[tilespmem:s18], [sflag:$0x2] =	stream.indirect.gather [hbm4b:s4+s16], $0x80, s28, s16, $0xb8;
	[tilespmem:$0x1E800] =	vst v63  }
0x84: {  	p0 =	sne.s32 s26, $0x4800;
	_ =	swait.ge [sflag:s19], $0x4000  }
0x85: {  	[sflag:s19] =	ssyncset.done $0x0  }
0x86: {  	s26 =	sadd.s32 $0x1400, s25;
	[sflag:s19] =	ssyncadd.s32 $0xFFFFC000  }
0x87: {  	[spmem:s2] =	stream.indirect.scatter.add.f32 [tilespmem:s17], [sflag:$0x3], $0x80, s26, s16, $0xb8;
	[tilespmem:$0x1E800] =	vst v63  }
0x88: {  	_ =	swait.ge [sflag:s14], $0x4000  }
0x89: {  	[sflag:s14] =	ssyncset.done $0x0  }
0x8a: {  	s26 =	sadd.s32 $0x100, s25;
	[sflag:s14] =	ssyncadd.s32 $0xFFFFC000  }
0x8b: {  	[tilespmem:s17], [sflag:$0x1] =	stream.indirect.gather [hbm4b:s4+s16], $0x80, s26, s16, $0xb8;
	[tilespmem:$0x1E800] =	vst v63  }
0x8c: {  	_ =	swait.ge [sflag:s20], $0x4000  }
.Ltmp1:
0x8d: {  	[sflag:s20] =	ssyncset.done $0x0;
	(pc) =	sbr.rel @p0 .LBB2_4-.Ltmp1, $4  }
0x8e: {  	s25 =	sadd.s32 $0x1480, s25;
	[sflag:s20] =	ssyncadd.s32 $0xFFFFC000  }
0x8f: {  	[spmem:s2] =	stream.indirect.scatter.add.f32 [tilespmem:s18], [sflag:$0x3], $0x80, s25, s16, $0xb8;
	[tilespmem:$0x1E800] =	vst v63  }
0x90: {  	_ =	swait.ge [sflag:s14], $0x4000  }
0x91: {  	s26 =	smov.u32 s30;
	s25 =	sshra.s32 s29, $0x2;
	[sflag:s14] =	ssyncset.done $0x0  }
0x92: {  	s26 =	sadd.s32 $0x80, s25;
	[sflag:s14] =	ssyncadd.s32 $0xFFFFC000  }
0x93: {  	[tilespmem:s18], [sflag:$0x2] =	stream.indirect.gather [hbm4b:s4+s16], $0x80, s26, s16, $0xb8;
	[tilespmem:$0x1E800] =	vst v63  }
0x94: {  	_ =	swait.ge [sflag:s19], $0x4000  }
0x95: {  	[sflag:s19] =	ssyncset.done $0x0  }
0x96: {  	s29 =	sadd.s32 $0x1400, s25;
	[sflag:s19] =	ssyncadd.s32 $0xFFFFC000  }
0x97: {  	[spmem:s2] =	stream.indirect.scatter.add.f32 [tilespmem:s17], [sflag:$0x3], $0x80, s29, s16, $0xb8;
	[tilespmem:$0x1E800] =	vst v63  }
0x98: {  	_ =	swait.ge [sflag:s14], $0x4000  }
0x99: {  	[sflag:s14] =	ssyncset.done $0x0  }
0x9a: {  	s30 =	sadd.s32 $0x100, s25;
	[sflag:s14] =	ssyncadd.s32 $0xFFFFC000  }
0x9b: {  	[tilespmem:s17], [sflag:$0x1] =	stream.indirect.gather [hbm4b:s4+s16], $0x80, s30, s16, $0xb8;
	[tilespmem:$0x1E800] =	vst v63  }
0x9c: {  	_ =	swait.ge [sflag:s20], $0x4000  }
0x9d: {  	[sflag:s20] =	ssyncset.done $0x0  }
0x9e: {  	s31 =	sadd.s32 $0x1480, s25;
	[sflag:s20] =	ssyncadd.s32 $0xFFFFC000  }
0x9f: {  	[spmem:s2] =	stream.indirect.scatter.add.f32 [tilespmem:s18], [sflag:$0x3], $0x80, s31, s16, $0xb8;
	[tilespmem:$0x1E800] =	vst v63  }
0xa0: {  	_ =	swait.ge [sflag:s14], $0x4000  }
0xa1: {  	[sflag:s14] =	ssyncset.done $0x0  }
0xa2: {  	[sflag:s14] =	ssyncadd.s32 $0xFFFFC000  }
0xa3: {  	[tilespmem:s18], [sflag:$0x2] =	stream.indirect.gather [hbm4b:s4+s16], $0x80, s21, s16, $0xb8;
	[tilespmem:$0x1E800] =	vst v63  }
0xa4: {  	_ =	swait.ge [sflag:s19], $0x4000  }
0xa5: {  	[sflag:s19] =	ssyncset.done $0x0  }
0xa6: {  	[sflag:s19] =	ssyncadd.s32 $0xFFFFC000  }
0xa7: {  	[spmem:s2] =	stream.indirect.scatter.add.f32 [tilespmem:s17], [sflag:$0x3], $0x80, s22, s16, $0xb8;
	[tilespmem:$0x1E800] =	vst v63  }
0xa8: {  	_ =	swait.ge [sflag:s14], $0x4000  }
0xa9: {  	[sflag:s14] =	ssyncset.done $0x0  }
0xaa: {  	[sflag:s14] =	ssyncadd.s32 $0xFFFFC000  }
0xab: {  	[tilespmem:s17], [sflag:$0x1] =	stream.indirect.gather [hbm4b:s4+s16], $0x80, s21, s16, $0xb8;
	[tilespmem:$0x1E800] =	vst v63  }
0xac: {  	_ =	swait.ge [sflag:s20], $0x4000  }
0xad: {  	[sflag:s20] =	ssyncset.done $0x0  }
0xae: {  	[sflag:s20] =	ssyncadd.s32 $0xFFFFC000  }
0xaf: {  	[spmem:s2] =	stream.indirect.scatter.add.f32 [tilespmem:s18], [sflag:$0x3], $0x80, s23, s16, $0xb8;
	[tilespmem:$0x1E800] =	vst v63  }
0xb0: {  	_ =	swait.ge [sflag:s14], $0x4000  }
0xb1: {  	[sflag:s14] =	ssyncset.done $0x0  }
0xb2: {  	[sflag:s14] =	ssyncadd.s32 $0xFFFFC000  }
0xb3: {  	_ =	swait.ge [sflag:s19], $0x4000  }
0xb4: {  	s24 =	sadd.s32 $0x1, s24;
	[sflag:s19] =	ssyncset.done $0x0  }
0xb5: {  	p0 =	sne.s32 s24, s12;
	[sflag:s19] =	ssyncadd.s32 $0xFFFFC000  }
.Ltmp2:
0xb6: {  	[bflag:$0x0] =	sbarrier.arrive $0xFFFF;
	(pc) =	sbr.rel @p0 .LBB2_1-.Ltmp2, $4  }
0xb7: {  	[hbm:s11], [sflag:s6] =	dma.local [spmem:s13], $0x2800  }
0xb8: {  	_ =	swait.ge [sflag:s14], $0x2800  }
0xb9: {  	[sflag:s14] =	ssyncset.done $0x0  }
0xba: {  	[sflag:s14] =	ssyncadd.s32 $0xFFFFD800  }
0xbb: {  	_ =	sfence.sel $0x180000  }
0xbc: {  	[bflag:$0x0] =	sbarrier.arrive $0xFFFF  }
0xbd: {  	p0 =	sne.s32 s1, $0x0;
	_ =	strace $0x9000004D  }
0xbe: {  	s0 =	sadd.s32 @!p0 $0x100000, s0;
	[bflag:$0x2] =	sbarrier.arrive $0xFFFF  }
0xbf: {  	[sflag:s0] =	ssyncadd.tile.s32 @!p0 $0x1;
	_ =	shalt  }
.Lfunc_end2:
_tile_overlayer_lowered:
.L_overlay_start_2:
0xc0: {  	(tag) =	ssettag $0x2  }
0xc1: {  	s0 =	rddreg [dreg:$0x0];
	s2 =	stileid.u32  }
0xc2: {  	s1 =	rddreg [dreg:$0x1];
	p0 =	sne.s32 s2, $0x0  }
0xc3: {  	s3 =	rddreg [dreg:$0x2];
	[bflag:$0x3] =	sbarrier.arrive $0xFFFF;
	s2 =	simm.s32 @!p0 $0x1C03  }
0xc4: {  	[timem:s3], [sflag:s2] =	dma.local @!p0 [hbm:s0], s1  }
0xc5: {  	s0 =	simm.s32 @!p0 $0x3  }
0xc6: {  	_ =	swait.ge @!p0 [sflag:s0], s1  }
0xc7: {  	s1 =	ssub.s32 @!p0 $0x0, s1;
	[sflag:s0] =	ssyncset.done @!p0 $0x0  }
0xc8: {  	[sflag:s0] =	ssyncadd.s32 @!p0 s1  }
0xc9: {  	[bflag:$0x3] =	sbarrier.arrive $0xFFFF  }
0xca: {  	_ =	shalt  }

// kernel: kernel.8.cloned.1.call-start
scs
__scs_entry_jumppad:
0x0: {  	(pc) =	sbr.rel $0x88, $3  }
0x1: {  	(tag) =	ssettag $0x0;
	lr =	simm.s32 $0x1  }
0x2: {  	[smem:$0x3F9B] =	sst lr;
	_ =	strace $0xD0000000  }
0x3: {  	_ = 	snop  }
0x4: {  	_ = 	snop  }
0x5: {  	_ = 	snop  }
0x6: {  	_ = 	snop  }
0x7: {  	_ = 	snop  }
__scs_overlays_trampoline_lowered:
0x8: {  	[smem:$0x3FAA] =	sst s0  }
0x9: {  	[smem:$0x3FAB] =	sst s1  }
0xa: {  	[smem:$0x3FAC] =	sst s2  }
0xb: {  	[smem:$0x3FAD] =	sst s3  }
0xc: {  	[smem:$0x3FAE] =	sst s4  }
0xd: {  	[smem:$0x3FAF] =	sst s5  }
0xe: {  	[smem:$0x3FB0] =	sst s6  }
0xf: {  	[smem:$0x3FB1] =	sst s7  }
0x10: {  	[smem:$0x3FB2] =	sst s8  }
0x11: {  	[smem:$0x3FB3] =	sst s9;
	s0 =	simm.s32 @!p0 $0x0  }
0x12: {  	s1 =	sld [smem:$0x3F99];
	s0 =	simm.s32 @p0 $0x1  }
0x13: {  	[smem:$0x3FB4] =	sst s0;
	s0 =	simm.s32 @!p1 $0x0  }
0x14: {  	s2 =	sld [smem:$0x3F98];
	s0 =	simm.s32 @p1 $0x1  }
0x15: {  	[smem:$0x3FB5] =	sst s0;
	s0 =	simm.s32 @!p2 $0x0  }
0x16: {  	s3 =	sld [smem:$0x3FDB];
	s0 =	simm.s32 @p2 $0x1  }
0x17: {  	s4 =	simm.s32 $0x1BF5;
	[smem:$0x3FB7] =	sst s0  }
0x18: {  	s0 =	sld [smem:$0x3F9A];
	_ =	swait.ge [sflag:s4], $0x0  }
0x19: {  	s7 =	sld [smem:$0x3F9B]  }
0x1a: {  	s8 =	sadd.s32 $0xFFFFE003, lr  }
0x1b: {  	s9 =	sadd.s32 $0xFFFFFEF7, lr;
	s5 =	simm.s32 $0xFFFFFFFF;
	p2 =	slt.u32 s8, $0xFFFFF086  }
0x1c: {  	p1 =	slt.u32 s9, $0xF7A;
	s5 =	simm.s32 @!p2 $0x0  }
0x1d: {  	s5 =	simm.s32 @p1 $0x1;
	p0 =	seq.s32 s7, s2  }
0x1e: {  	s7 =	smul.u32 @!p0 $0xF7A, s2;
	p2 =	seq.s32 @!p0 s5, $0x0  }
0x1f: {  	s9 =	smul.u32 $0xF7A, s1;
	s8 =	simm.s32 @!p0 $0x1BF5;
	p2 =	por !p2, p0  }
0x20: {  	[sflag:s8] =	ssyncset.s32 @!p0 $0xFFFFF086;
	s6 =	sadd.s32 @!p0 s3, s7;
	s7 =	simm.s32 @!p0 $0x108  }
0x21: {  	s3 =	sadd.s32 s3, s9;
	s6 =	sadd.s32 @!p0 $0x88, s6;
	s7 =	simm.s32 @p2 $0x1082  }
0x22: {  	[simem:s7], [sflag:s8] =	dma.local @!p0 [hbm:s6], $0xF7A  }
0x23: {  	s9 =	sor.u32 $0xD0000000, s2;
	s6 =	simm.s32 $0x108;
	_ =	swait.ge @!p0 [sflag:s8], $0x0  }
0x24: {  	s3 =	sadd.s32 $0x88, s3;
	s6 =	simm.s32 @!p1 $0x1082;
	[sflag:s4] =	ssyncset.s32 $0xFFFFF086  }
0x25: {  	[simem:s6], [sflag:s4] =	dma.local [hbm:s3], $0xF7A  }
0x26: {  	[smem:$0x3F9B] =	sst s1;
	(tag) =	ssettag s2;
	_ =	strace s9  }
0x27: {  	s1 =	sld [smem:$0x3FAB]  }
0x28: {  	s2 =	sld [smem:$0x3FAC]  }
0x29: {  	s4 =	sld [smem:$0x3FAE]  }
0x2a: {  	p0 =	seq.s32 s5, $0x0;
	s5 =	sld [smem:$0x3FAF]  }
0x2b: {  	s6 =	sld [smem:$0x3FB0]  }
0x2c: {  	s7 =	sld [smem:$0x3FB1]  }
0x2d: {  	s3 =	simm.s32 $0x108;
	s8 =	sld [smem:$0x3FB2]  }
0x2e: {  	s3 =	simm.s32 @!p0 $0x1082;
	s9 =	sld [smem:$0x3FB3]  }
0x2f: {  	lr =	sadd.s32 s0, s3;
	s0 =	sld [smem:$0x3FAA]  }
0x30: {  	s3 =	sld [smem:$0x3FAD]  }
0x31: {  	[smem:$0x3FB6] =	sst s10  }
0x32: {  	s10 =	sld [smem:$0x3FB4];
	_ =	sdelay $0x3  }
0x33: {  	p0 =	seq.s32 s10, $0x1;
	s10 =	sld [smem:$0x3FB6];
	_ =	sdelay $0x3  }
0x34: {  	[smem:$0x3FB6] =	sst s10  }
0x35: {  	s10 =	sld [smem:$0x3FB5];
	_ =	sdelay $0x3  }
0x36: {  	p1 =	seq.s32 s10, $0x1;
	s10 =	sld [smem:$0x3FB6];
	_ =	sdelay $0x3  }
0x37: {  	[smem:$0x3FB6] =	sst s10  }
0x38: {  	s10 =	sld [smem:$0x3FB7]  }
0x39: {  	_ = 	snop;
	(pc) =	sbr.ind lr, $3  }
0x3a: {  	_ = 	snop  }
0x3b: {  	_ = 	snop  }
0x3c: {  	p2 =	seq.s32 s10, $0x1;
	s10 =	sld [smem:$0x3FB6]  }
0x3d: {  	_ =	shalt  }
0x3e: {  	_ =	shalt  }
0x3f: {  	_ =	shalt  }
0x40: {  	_ =	shalt  }
0x41: {  	_ =	shalt  }
0x42: {  	_ =	shalt  }
0x43: {  	_ =	shalt  }
0x44: {  	_ =	shalt  }
0x45: {  	_ =	shalt  }
0x46: {  	_ =	shalt  }
0x47: {  	_ =	shalt  }
0x48: {  	_ =	shalt  }
0x49: {  	_ =	shalt  }
0x4a: {  	_ =	shalt  }
0x4b: {  	_ =	shalt  }
0x4c: {  	_ =	shalt  }
0x4d: {  	_ =	shalt  }
0x4e: {  	_ =	shalt  }
0x4f: {  	_ =	shalt  }
0x50: {  	_ =	shalt  }
0x51: {  	_ =	shalt  }
0x52: {  	_ =	shalt  }
0x53: {  	_ =	shalt  }
0x54: {  	_ =	shalt  }
0x55: {  	_ =	shalt  }
0x56: {  	_ =	shalt  }
0x57: {  	_ =	shalt  }
0x58: {  	_ =	shalt  }
0x59: {  	_ =	shalt  }
0x5a: {  	_ =	shalt  }
0x5b: {  	_ =	shalt  }
0x5c: {  	_ =	shalt  }
0x5d: {  	_ =	shalt  }
0x5e: {  	_ =	shalt  }
0x5f: {  	_ =	shalt  }
0x60: {  	_ =	shalt  }
0x61: {  	_ =	shalt  }
0x62: {  	_ =	shalt  }
0x63: {  	_ =	shalt  }
0x64: {  	_ =	shalt  }
0x65: {  	_ =	shalt  }
0x66: {  	_ =	shalt  }
0x67: {  	_ =	shalt  }
0x68: {  	_ =	shalt  }
0x69: {  	_ =	shalt  }
0x6a: {  	_ =	shalt  }
0x6b: {  	_ =	shalt  }
0x6c: {  	_ =	shalt  }
0x6d: {  	_ =	shalt  }
0x6e: {  	_ =	shalt  }
0x6f: {  	_ =	shalt  }
0x70: {  	_ =	shalt  }
0x71: {  	_ =	shalt  }
0x72: {  	_ =	shalt  }
0x73: {  	_ =	shalt  }
0x74: {  	_ =	shalt  }
0x75: {  	_ =	shalt  }
0x76: {  	_ =	shalt  }
0x77: {  	_ =	shalt  }
0x78: {  	_ =	shalt  }
0x79: {  	_ =	shalt  }
0x7a: {  	_ =	shalt  }
0x7b: {  	_ =	shalt  }
0x7c: {  	_ =	shalt  }
0x7d: {  	_ =	shalt  }
0x7e: {  	_ =	shalt  }
0x7f: {  	_ =	shalt  }
0x80: {  	_ =	shalt  }
0x81: {  	_ =	shalt  }
0x82: {  	_ =	shalt  }
0x83: {  	_ =	shalt  }
0x84: {  	_ =	shalt  }
0x85: {  	_ =	shalt  }
0x86: {  	_ =	shalt  }
0x87: {  	_ =	shalt  }
.Lfunc_end0:
.L_simem_size_0:
called_computation_lowered:
.L_overlay_start_0:
0x88: {  	s2 =	sld [smem:$0x3FD9]  }
0x89: {  	s3 =	sld [smem:$0x3FFE];
	_ =	sdelay $0x1  }
0x8a: {  	s1 =	srdreg.scid  }
0x8b: {  	s0 =	sand.u32 $0x1, s1  }
0x8c: {  	s16 =	sshll.u32 s0, $0xA;
	s2 =	sadd.s32 s3, s2  }
0x8d: {  	s2 =	sadd.s32 s2, s16  }
0x8e: {  	[smem:$0x3FC2] =	sst s2  }
0x8f: {  	_ = 	snop  }
0x90: {  	(tm) =	ssettm $0x1  }
0x91: {  	s17 =	sld [smem:$0x3FFB];
	_ =	sdelay $0x3  }
0x92: {  	_ =	strace s17  }
0x93: {  	s2 =	sld [smem:$0x3FFC];
	_ =	sdelay $0x3  }
0x94: {  	_ =	strace s2  }
0x95: {  	s2 =	sld [smem:$0x3FFD];
	_ =	sdelay $0x3  }
0x96: {  	_ =	strace s2  }
0x97: {  	_ =	strace $0x8FFFFFFF  }
0x98: {  	s18 =	sld [smem:$0x3FDB];
	_ =	sdelay $0x1  }
0x99: {  	s19 =	simm.s32 $_scs_section_size  }
0x9a: {  	s4 =	simm.s32 $_size__tile_overlayer_lowered;
	s5 =	simm.s32 $_tile_overlayer_lowered  }
0x9b: {  	s22 =	simm.s32 $0x1BFF;
	s21 =	sshll.u32 s5, $0x1;
	s2 =	sadd.s32 s19, s18  }
0x9c: {  	s6 =	simm.s32 $0x0;
	s20 =	sshll.u32 s4, $0x1;
	s4 =	sadd.s32 s21, s2  }
0x9d: {  	[timem:s6], [sflag:s22] =	dma.local [hbm:s4], s20  }
0x9e: {  	_ =	swait.ge [sflag:s22], s20  }
0x9f: {  	s3 =	ssub.s32 $0x0, s20;
	[sflag:s22] =	ssyncset.done $0x0  }
0xa0: {  	[sflag:s22] =	ssyncadd.s32 s3;
	_ =	sdelay $0x1  }
0xa1: {  	s23 =	simm.s32 $0x1B8B  }
0xa2: {  	_ =	swait.ge [sflag:s23], $0x1  }
0xa3: {  	[sflag:s23] =	ssyncset.done $0x0  }
0xa4: {  	s25 =	simm.s32 $0x1B8E;
	s24 =	sld [smem:$0x3FFE];
	[sflag:s23] =	ssyncadd.s32 $0xFFFFFFFF  }
0xa5: {  	s26 =	simm.s32 $execute0_lowered;
	[smem:$0x3FD2] =	sst s25  }
0xa6: {  	s4 =	sshll.u32 s26, $0x1;
	_ =	strace $0x80000046;
	[dreg:$0x1] =	wrdreg $0xFFFFFFFF  }
0xa7: {  	s28 =	simm.s32 $_size_execute0_lowered;
	s2 =	sadd.s32 s2, s4;
	[dreg:$0x0] =	wrdreg $0x0  }
0xa8: {  	s4 =	sshll.u32 s28, $0x1;
	[dreg:$0x2] =	wrdreg s2  }
0xa9: {  	[dreg:$0x3] =	wrdreg s4  }
0xaa: {  	[dreg:$0x4] =	wrdreg $0xC0  }
0xab: {  	_ =	task [dreg:s6], $0x5FFFF  }
0xac: {  	[dreg:$0x1] =	wrdreg $0xFFFFFFFF  }
0xad: {  	[dreg:$0x0] =	wrdreg $0x60  }
0xae: {  	[dreg:$0x2] =	wrdreg s24  }
0xaf: {  	[dreg:$0x3] =	wrdreg $0x68000  }
0xb0: {  	[dreg:$0x4] =	wrdreg $0x9  }
0xb1: {  	_ =	task.clear_ibuf [dreg:s6], $0x5FFFF;
	_ =	strace $0x90000046  }
0xb2: {  	s29 =	simm.s32 $0x9;
	_ =	strace $0x80000048  }
0xb3: {  	_ =	swait.ge [sflag:s29], $0x1  }
0xb4: {  	[sflag:s29] =	ssyncadd.s32 $0xFFFFFFFF  }
0xb5: {  	_ =	strace $0x90000048  }
0xb6: {  	_ =	sfence  }
0xb7: {  	s30 =	sld [smem:$0x0];
	_ =	sdelay $0x2  }
0xb8: {  	s31 =	sshll.u32 s1, $0xD;
	s1 =	sshrl.u32 s1, $0x2  }
0xb9: {  	s3 =	sand.u32 $0x4000, s31;
	s1 =	sadd.s32 s1, s30  }
0xba: {  	s0 =	sor.u32 s3, s0;
	s1 =	sshll.u32 s1, $0x11  }
0xbb: {  	s0 =	sor.u32 s1, s0  }
0xbc: {  	s0 =	sadd.s32 $0x8F2B, s0  }
0xbd: {  	[sflag:s0] =	ssyncadd.remote.s32 $0x1  }
0xbe: {  	_ =	sfence.sel $0xFFFF  }
0xbf: {  	[dreg:$0x0] =	wrdreg $0xFFFFFFFF;
	(pc) =	sbr.abs _section_cstart, $3  }
0xc0: {  	[dreg:$0x1] =	wrdreg $0xFFFFFFFF  }
0xc1: {  	_ =	task.clear_ibuf [dreg:s6], $0x2FFFF;
	_ =	strace $0x9FFFFFFF  }
0xc2: {  	(tm) =	ssettm $0x7FFFFFFF  }
0xc3: {  	_ =	shalt  }
tec
execute0_lowered:
.L_overlay_start_1:
0x0: {  	(tag) =	ssettag $0x1  }
0x1: {  	s6 =	rddreg [dreg:$0x0]  }
0x2: {  	s0 =	srdreg.scid;
	s2 =	rddreg [dreg:$0x1];
	s3 =	simm.s32 $0x0  }
0x3: {  	s14 =	simm.s32 $0x1;
	s5 =	sand.u32 $0x1, s0;
	s0 =	stileid.u32  }
0x4: {  	s15 =	simm.s32 $0x2;
	s16 =	simm.s32 $0x0;
	s7 =	smul.u32 $0x14000, s0  }
0x5: {  	[smem:$0x7FF] =	sst s3;
	s1 =	sshll.u32 s5, $0x4;
	s8 =	smul.u32 $0x140000, s5  }
0x6: {  	s28 =	smul.u32 $0x50000, s0;
	s5 =	ssub.s32 $0x2, s5;
	s1 =	sor.u32 s0, s1  }
0x7: {  	s31 =	sshll.u32 s0, $0x6;
	s29 =	sshrl.u32 s5, $0x1;
	s4 =	smul.u32 $0x500, s1  }
0x8: {  	s1 =	rddreg [dreg:$0x2];
	_ =	strace $0x80000047;
	s10 =	sshrl.u32 s7, $0x3  }
0x9: {  	s7 =	sadd.s32 s7, s8;
	s30 =	sshrl.u32 s28, $0x2;
	s12 =	ssub.s32 s5, s29  }
0xa: {  	s10 =	sadd.s32 s10, s6;
	s7 =	sshrl.u32 s7, $0x3;
	s13 =	sadd.s32 s30, s2  }
0xb: {  	s9 =	sadd.s32 s4, s6;
	s4 =	sadd.s32 $0xCA00, s6;
	s11 =	sadd.s32 s7, s6  }
0xc: {  	s5 =	sadd.s32 $0xD200, s10;
	s6 =	sor.u32 $0x1C03, s31;
	s10 =	sshrl.u32 s13, $0x3  }
0xd: {  	s13 =	simm.s32 $0x80;
	s7 =	sadd.s32 $0x2A00, s9;
	s8 =	sadd.s32 $0x35200, s11  }
0xe: {  	s9 =	smax.u32 s12, $0x1;
	s11 =	simm.s32 $0x3;
	s12 =	simm.s32 $0x2800  }
.LBB2_1:
0xf: {  	[spmem:s10], [sflag:s6] =	dma.local [hbm:s5], $0x2800  }
0x10: {  	_ =	swait.ge [sflag:s11], $0x2800  }
0x11: {  	[sflag:s11] =	ssyncset.done $0x0  }
0x12: {  	[sflag:s11] =	ssyncadd.s32 $0xFFFFD800  }
0x13: {  	[tilespmem:s12], [sflag:$0x3] =	stream.linear.gather [hbm4b:s4+s3], $0x4000, $0x38;
	[tilespmem:$0x1A800] =	vst v63  }
0x14: {  	_ =	swait.ge [sflag:s11], $0x4000  }
0x15: {  	[sflag:s11] =	ssyncset.done $0x0  }
0x16: {  	[sflag:s11] =	ssyncadd.s32 $0xFFFFC000  }
0x17: {  	[tilespmem:s3], [sflag:$0x3] =	stream.linear.gather [hbm4b:s7+s3], $0x2800, $0x38;
	[tilespmem:$0x1A800] =	vst v63  }
0x18: {  	_ =	swait.ge [sflag:s11], $0x2800  }
0x19: {  	[sflag:s11] =	ssyncset.done $0x0  }
0x1a: {  	[sflag:s11] =	ssyncadd.s32 $0xFFFFD800  }
0x1b: {  	s17 =	simm.s32 $0x0;
	[bflag:$0x0] =	sbarrier.arrive $0xFFFF  }
0x1c: {  	[spmem:s2] =	stream.indirect.scatter.add.f32 [tilespmem:s12], [sflag:$0x1], $0x80, s17, s13, $0xb8;
	[tilespmem:$0x1A800] =	vst v63  }
0x1d: {  	s31 =	simm.s32 $0x80  }
0x1e: {  	[spmem:s2] =	stream.indirect.scatter.add.f32 [tilespmem:s12], [sflag:$0x2], $0x80, s31, s13, $0xb8;
	[tilespmem:$0x1A800] =	vst v63  }
0x1f: {  	_ =	swait.ge [sflag:s14], $0x4000  }
0x20: {  	[sflag:s14] =	ssyncset.done $0x0  }
0x21: {  	[sflag:s14] =	ssyncadd.s32 $0xFFFFC000  }
0x22: {  	_ =	swait.ge [sflag:s15], $0x4000  }
0x23: {  	s18 =	simm.s32 $0x800;
	s17 =	simm.s32 $0x400;
	[sflag:s15] =	ssyncset.done $0x0  }
.LBB2_2:
0x24: {  	s19 =	sshra.s32 s17, $0x2  }
0x25: {  	[sflag:s15] =	ssyncadd.s32 $0xFFFFC000;
	s17 =	smov.u32 s18;
	s20 =	sadd.s32 $0x400, s18  }
0x26: {  	[spmem:s2] =	stream.indirect.scatter.add.f32 [tilespmem:s12], [sflag:$0x1], $0x80, s19, s13, $0xb8;
	[tilespmem:$0x1A800] =	vst v63  }
0x27: {  	p0 =	sne.s32 s18, $0x9C00;
	s18 =	sadd.s32 $0x80, s19  }
0x28: {  	[spmem:s2] =	stream.indirect.scatter.add.f32 [tilespmem:s12], [sflag:$0x2], $0x80, s18, s13, $0xb8;
	[tilespmem:$0x1A800] =	vst v63  }
.Ltmp0:
0x29: {  	_ =	swait.ge [sflag:s14], $0x4000;
	(pc) =	sbr.rel @p0 .LBB2_2-.Ltmp0, $4  }
0x2a: {  	[sflag:s14] =	ssyncset.done $0x0  }
0x2b: {  	[sflag:s14] =	ssyncadd.s32 $0xFFFFC000  }
0x2c: {  	_ =	swait.ge [sflag:s15], $0x4000  }
0x2d: {  	s18 =	smov.u32 s20;
	[sflag:s15] =	ssyncset.done $0x0  }
0x2e: {  	s17 =	sshra.s32 s17, $0x2;
	[sflag:s15] =	ssyncadd.s32 $0xFFFFC000  }
0x2f: {  	[spmem:s2] =	stream.indirect.scatter.add.f32 [tilespmem:s12], [sflag:$0x1], $0x80, s17, s13, $0xb8;
	[tilespmem:$0x1A800] =	vst v63  }
0x30: {  	s17 =	sadd.s32 $0x80, s17  }
0x31: {  	[spmem:s2] =	stream.indirect.scatter.add.f32 [tilespmem:s12], [sflag:$0x2], $0x80, s17, s13, $0xb8;
	[tilespmem:$0x1A800] =	vst v63  }
0x32: {  	_ =	swait.ge [sflag:s14], $0x4000  }
0x33: {  	[sflag:s14] =	ssyncset.done $0x0  }
0x34: {  	[sflag:s14] =	ssyncadd.s32 $0xFFFFC000  }
0x35: {  	_ =	swait.ge [sflag:s15], $0x4000  }
0x36: {  	s16 =	sadd.s32 $0x1, s16;
	[sflag:s15] =	ssyncset.done $0x0  }
0x37: {  	p0 =	sne.s32 s16, s9;
	[sflag:s15] =	ssyncadd.s32 $0xFFFFC000  }
.Ltmp1:
0x38: {  	[bflag:$0x0] =	sbarrier.arrive $0xFFFF;
	(pc) =	sbr.rel @p0 .LBB2_1-.Ltmp1, $4  }
0x39: {  	[hbm:s8], [sflag:s6] =	dma.local [spmem:s10], $0x2800  }
0x3a: {  	_ =	swait.ge [sflag:s11], $0x2800  }
0x3b: {  	[sflag:s11] =	ssyncset.done $0x0  }
0x3c: {  	[sflag:s11] =	ssyncadd.s32 $0xFFFFD800  }
0x3d: {  	_ =	sfence.sel $0x180000  }
0x3e: {  	[bflag:$0x0] =	sbarrier.arrive $0xFFFF  }
0x3f: {  	p0 =	sne.s32 s0, $0x0;
	_ =	strace $0x90000047  }
0x40: {  	s0 =	sadd.s32 @!p0 $0x100000, s1;
	[bflag:$0x2] =	sbarrier.arrive $0xFFFF  }
0x41: {  	[sflag:s0] =	ssyncadd.tile.s32 @!p0 $0x1;
	_ =	shalt  }
.Lfunc_end2:
_tile_overlayer_lowered:
.L_overlay_start_2:
0x42: {  	(tag) =	ssettag $0x2  }
0x43: {  	s0 =	rddreg [dreg:$0x0];
	s2 =	stileid.u32  }
0x44: {  	s1 =	rddreg [dreg:$0x1];
	p0 =	sne.s32 s2, $0x0  }
0x45: {  	s3 =	rddreg [dreg:$0x2];
	[bflag:$0x3] =	sbarrier.arrive $0xFFFF;
	s2 =	simm.s32 @!p0 $0x1C03  }
0x46: {  	[timem:s3], [sflag:s2] =	dma.local @!p0 [hbm:s0], s1  }
0x47: {  	s0 =	simm.s32 @!p0 $0x3  }
0x48: {  	_ =	swait.ge @!p0 [sflag:s0], s1  }
0x49: {  	s1 =	ssub.s32 @!p0 $0x0, s1;
	[sflag:s0] =	ssyncset.done @!p0 $0x0  }
0x4a: {  	[sflag:s0] =	ssyncadd.s32 @!p0 s1  }
0x4b: {  	[bflag:$0x3] =	sbarrier.arrive $0xFFFF  }
0x4c: {  	_ =	shalt  }

</sc_bundles>
